<compile_context>
chip_gen: v7x
topology: tpu7x:2x2x1
jax: 0.10.2.dev20260603
libtpu: 0.0.44.dev20260713+nightly
codegen_flags: <defaults>
</compile_context>

<pallas_src>
import jax
import jax.numpy as jnp
from jax import lax
from jax.experimental import pallas as pl
from jax.experimental.pallas import tpu as pltpu
from jax.experimental.pallas import tpu_sc as plsc

N = 10000
E = 320000
D = 128

NC = 2
NS = 16
K = 128
CHB = 40
NBLK = 4
CH = CHB * NBLK
E_PAD = NS * K * CH
ROWS_PER_TILE = 640
ACC_ROWS = NS * ROWS_PER_TILE
DUMP = N


def _sc_agg_body(feat_A, feat_B, src1, dst1, src2, dst2,
                 s1_out, d1_out, s2_out, d2_out,
                 acc, deg, isrc, idst, rows0, rows1, ones_v,
                 gsem0, gsem1, ssem0, ssem1, dsem):
    cid = lax.axis_index("c")
    sid = lax.axis_index("s")

    zero16 = jnp.zeros((16,), jnp.float32)

    def zrow(i, _):
        for j in range(D // 16):
            rows0[i, pl.ds(j * 16, 16)] = zero16
        return 0

    lax.fori_loop(0, K, zrow, 0)
    one16 = jnp.ones((16,), jnp.float32)
    for j in range(K // 16):
        ones_v[pl.ds(j * 16, 16)] = one16

    base = sid * ROWS_PER_TILE
    for k in range(ROWS_PER_TILE // K):
        pltpu.async_copy(rows0, acc.at[pl.ds(base + k * K, K)], gsem0)
        pltpu.async_copy(rows0.at[0], deg.at[pl.ds(base + k * K, K)], gsem1)
    for k in range(ROWS_PER_TILE // K):
        pltpu.make_async_copy(rows0, acc.at[pl.ds(base + k * K, K)],
                              gsem0).wait()
        pltpu.make_async_copy(rows0.at[0], deg.at[pl.ds(base + k * K, K)],
                              gsem1).wait()
    plsc.subcore_barrier()

    def run(feat, esrc, edst):
        def block(b, _):
            pltpu.sync_copy(esrc.at[sid, pl.ds(b * CHB, CHB)], isrc)
            pltpu.sync_copy(edst.at[sid, pl.ds(b * CHB, CHB)], idst)

            def pair(jj, _):
                a = 2 * jj

                @pl.when(jj > 0)
                def _():
                    pltpu.make_async_copy(
                        rows0, acc.at[idst.at[a - 2]], ssem0).wait()
                pltpu.async_copy(feat.at[isrc.at[a]], rows0, gsem0)

                @pl.when(jj > 0)
                def _():
                    pltpu.make_async_copy(
                        rows1, acc.at[idst.at[a - 1]], ssem1).wait()
                pltpu.async_copy(feat.at[isrc.at[a + 1]], rows1, gsem1)

                pltpu.make_async_copy(feat.at[isrc.at[a]], rows0,
                                      gsem0).wait()
                pltpu.async_copy(rows0, acc.at[idst.at[a]], ssem0,
                                 add=True)
                pltpu.async_copy(ones_v, deg.at[idst.at[a]], dsem,
                                 add=True)

                pltpu.make_async_copy(feat.at[isrc.at[a + 1]], rows1,
                                      gsem1).wait()
                pltpu.async_copy(rows1, acc.at[idst.at[a + 1]], ssem1,
                                 add=True)
                pltpu.async_copy(ones_v, deg.at[idst.at[a + 1]], dsem,
                                 add=True)

                @pl.when(jj > 0)
                def _():
                    pltpu.make_async_copy(
                        ones_v, deg.at[idst.at[a - 2]], dsem).wait()
                    pltpu.make_async_copy(
                        ones_v, deg.at[idst.at[a - 1]], dsem).wait()
                return 0

            lax.fori_loop(0, CHB // 2, pair, 0)
            pltpu.make_async_copy(rows0, acc.at[idst.at[CHB - 2]],
                                  ssem0).wait()
            pltpu.make_async_copy(rows1, acc.at[idst.at[CHB - 1]],
                                  ssem1).wait()
            pltpu.make_async_copy(ones_v, deg.at[idst.at[CHB - 2]],
                                  dsem).wait()
            pltpu.make_async_copy(ones_v, deg.at[idst.at[CHB - 1]],
                                  dsem).wait()
            return 0

        lax.fori_loop(0, NBLK, block, 0)

    @pl.when(cid == 0)
    def _():
        run(feat_A, src1, dst1)

    @pl.when(cid == 1)
    def _():
        run(feat_B, src2, dst2)

    plsc.subcore_barrier()

    @pl.when(cid == 0)
    def _():
        pltpu.async_copy(acc.at[pl.ds(base, ROWS_PER_TILE)],
                         s1_out.at[pl.ds(base, ROWS_PER_TILE)], gsem0)
        pltpu.async_copy(deg.at[pl.ds(base, ROWS_PER_TILE)],
                         d1_out.at[pl.ds(base, ROWS_PER_TILE)], gsem1)
        pltpu.make_async_copy(acc.at[pl.ds(base, ROWS_PER_TILE)],
                              s1_out.at[pl.ds(base, ROWS_PER_TILE)],
                              gsem0).wait()
        pltpu.make_async_copy(deg.at[pl.ds(base, ROWS_PER_TILE)],
                              d1_out.at[pl.ds(base, ROWS_PER_TILE)],
                              gsem1).wait()

    @pl.when(cid == 1)
    def _():
        pltpu.async_copy(acc.at[pl.ds(base, ROWS_PER_TILE)],
                         s2_out.at[pl.ds(base, ROWS_PER_TILE)], gsem0)
        pltpu.async_copy(deg.at[pl.ds(base, ROWS_PER_TILE)],
                         d2_out.at[pl.ds(base, ROWS_PER_TILE)], gsem1)
        pltpu.make_async_copy(acc.at[pl.ds(base, ROWS_PER_TILE)],
                              s2_out.at[pl.ds(base, ROWS_PER_TILE)],
                              gsem0).wait()
        pltpu.make_async_copy(deg.at[pl.ds(base, ROWS_PER_TILE)],
                              d2_out.at[pl.ds(base, ROWS_PER_TILE)],
                              gsem1).wait()


def _sc_aggregate(feat_A, feat_B, src1, dst1, src2, dst2):
    mesh = plsc.VectorSubcoreMesh(core_axis_name="c", subcore_axis_name="s",
                                  num_cores=NC, num_subcores=NS)
    f32 = jnp.float32
    out_type = (
        jax.ShapeDtypeStruct((ACC_ROWS, D), f32),
        jax.ShapeDtypeStruct((ACC_ROWS,), f32),
        jax.ShapeDtypeStruct((ACC_ROWS, D), f32),
        jax.ShapeDtypeStruct((ACC_ROWS,), f32),
    )
    scratch = [
        pltpu.VMEM_SHARED((ACC_ROWS, D), f32),
        pltpu.VMEM_SHARED((ACC_ROWS,), f32),
        pltpu.VMEM((CHB, K), jnp.int32),
        pltpu.VMEM((CHB, K), jnp.int32),
        pltpu.VMEM((K, D), f32),
        pltpu.VMEM((K, D), f32),
        pltpu.VMEM((K,), f32),
        pltpu.SemaphoreType.DMA,
        pltpu.SemaphoreType.DMA,
        pltpu.SemaphoreType.DMA,
        pltpu.SemaphoreType.DMA,
        pltpu.SemaphoreType.DMA,
    ]
    fn = pl.kernel(_sc_agg_body, out_type=out_type, mesh=mesh,
                   scratch_types=scratch)
    return fn(feat_A, feat_B, src1, dst1, src2, dst2)


def _combine_body(s1_ref, d1_ref, s2_ref, d2_ref, w1_ref, b1_ref,
                  w2_ref, b2_ref, out_ref):
    d1 = d1_ref[...]
    d2 = d2_ref[...]
    x1 = s1_ref[...] / jnp.maximum(d1, 1.0)
    x2 = s2_ref[...] / jnp.maximum(d2, 1.0)
    h = jnp.dot(x1, w1_ref[...], preferred_element_type=jnp.float32)
    h += jnp.dot(x2, w2_ref[...], preferred_element_type=jnp.float32)
    h += jnp.where(d1 > 0, b1_ref[...], 0.0)
    h += jnp.where(d2 > 0, b2_ref[...], 0.0)
    out_ref[...] = h


def _combine(s1, deg1, s2, deg2, W_e1, b_e1, W_e2, b_e2):
    BLK = 400
    grid = (N // BLK,)
    d1 = deg1.reshape(ACC_ROWS, 1)
    d2 = deg2.reshape(ACC_ROWS, 1)
    b1 = b_e1.reshape(1, D)
    b2 = b_e2.reshape(1, D)
    row_spec = pl.BlockSpec((BLK, D), lambda i: (i, 0))
    deg_spec = pl.BlockSpec((BLK, 1), lambda i: (i, 0))
    full_w = pl.BlockSpec((D, D), lambda i: (0, 0))
    full_b = pl.BlockSpec((1, D), lambda i: (0, 0))
    return pl.pallas_call(
        _combine_body,
        grid=grid,
        in_specs=[row_spec, deg_spec, row_spec, deg_spec,
                  full_w, full_b, full_w, full_b],
        out_specs=pl.BlockSpec((BLK, D), lambda i: (i, 0)),
        out_shape=jax.ShapeDtypeStruct((N, D), jnp.float32),
    )(s1, d1, s2, d2, W_e1, b1, W_e2, b2)


def _pad_edges(edge):
    pad = E_PAD - E
    src = jnp.concatenate([edge[0], jnp.zeros((pad,), jnp.int32)])
    dst = jnp.concatenate([edge[1], jnp.full((pad,), DUMP, jnp.int32)])
    return src.reshape(NS, CH, K), dst.reshape(NS, CH, K)


@jax.jit
def kernel(feat_A, feat_B, edge_e1, edge_e2, W_e1, b_e1, W_e2, b_e2):
    src1, dst1 = _pad_edges(edge_e1)
    src2, dst2 = _pad_edges(edge_e2)
    s1, d1, s2, d2 = _sc_aggregate(feat_A, feat_B, src1, dst1, src2, dst2)
    return _combine(s1, d1, s2, d2, W_e1, b_e1, W_e2, b_e2)

# --- scband reference (transcript-rebuilt; emitter-appended) ---
"""Pipeline reference for scband-hetero-rgcnlayer-70205535421296 (READ-ONLY COPY).

The authoritative reference and input builder live on the scoring server;
editing this copy changes nothing except your own understanding.
"""

import jax, jax.numpy as jnp
import numpy as np

N = 10000
E = 320000
D_IN = 128
D_OUT = 128


def setup_inputs(seed: int = 0) -> dict:
    key = jax.random.key(seed)
    ks = jax.random.split(key, 8)
    feat_A = jax.random.normal(ks[0], (N, D_IN), dtype=jnp.float32)
    feat_B = jax.random.normal(ks[1], (N, D_IN), dtype=jnp.float32)
    edge_e1 = jax.random.randint(ks[2], (2, E), 0, N, dtype=jnp.int32)
    edge_e2 = jax.random.randint(ks[3], (2, E), 0, N, dtype=jnp.int32)
    s = 1.0 / np.sqrt(D_IN)
    W_e1 = jax.random.uniform(ks[4], (D_IN, D_OUT), dtype=jnp.float32, minval=-s, maxval=s)
    b_e1 = jax.random.uniform(ks[5], (D_OUT,), dtype=jnp.float32, minval=-s, maxval=s)
    W_e2 = jax.random.uniform(ks[6], (D_IN, D_OUT), dtype=jnp.float32, minval=-s, maxval=s)
    b_e2 = jax.random.uniform(ks[7], (D_OUT,), dtype=jnp.float32, minval=-s, maxval=s)
    return {"feat_A": feat_A, "feat_B": feat_B, "edge_e1": edge_e1, "edge_e2": edge_e2,
            "W_e1": W_e1, "b_e1": b_e1, "W_e2": W_e2, "b_e2": b_e2}


def _etype_mean_agg(Wh, edges):
    # copy_u('wh','m') then mean('m','h') over dst nodes
    m = jnp.take(Wh, edges[0], axis=0)                       # gather messages from src
    s = jax.ops.segment_sum(m, edges[1], num_segments=N)      # scatter-add by dst
    deg = jax.ops.segment_sum(jnp.ones((edges.shape[1],), dtype=Wh.dtype), edges[1], num_segments=N)
    h = jnp.where(deg[:, None] > 0, s / jnp.maximum(deg, 1.0)[:, None], 0.0)
    return h


def reference(feat_A, feat_B, edge_e1, edge_e2, W_e1, b_e1, W_e2, b_e2):
    # per-etype Linear (W_etype), then copy_u/mean per etype, cross-etype 'sum' reduce
    Wh_A = feat_A @ W_e1 + b_e1
    Wh_B = feat_B @ W_e2 + b_e2
    h1 = _etype_mean_agg(Wh_A, edge_e1)
    h2 = _etype_mean_agg(Wh_B, edge_e2)
    return h1 + h2

if __name__ == "__main__":
    import jax
    _d = setup_inputs()
    print(jax.jit(kernel)(*tuple(_d.values())))

</pallas_src>

<mosaic_0001>
#map = affine_map<(d0, d1) -> (0, 0)>
#map1 = affine_map<(d0, d1) -> (0, 0, 0)>
#map2 = affine_map<(d0, d1) -> (0)>
module attributes {stable_mosaic.version = 14 : i64} {
  func.func @_sc_agg_body(%arg0: i32, %arg1: i32, %arg2: memref<10000x128xf32, #tpu.memory_space<hbm>>, %arg3: memref<10000x128xf32, #tpu.memory_space<hbm>>, %arg4: memref<16x160x128xi32, #tpu.memory_space<hbm>>, %arg5: memref<16x160x128xi32, #tpu.memory_space<hbm>>, %arg6: memref<16x160x128xi32, #tpu.memory_space<hbm>>, %arg7: memref<16x160x128xi32, #tpu.memory_space<hbm>>, %arg8: memref<10240x128xf32, #tpu.memory_space<hbm>>, %arg9: memref<10240xf32, #tpu.memory_space<hbm>>, %arg10: memref<10240x128xf32, #tpu.memory_space<hbm>>, %arg11: memref<10240xf32, #tpu.memory_space<hbm>>, %arg12: memref<10240x128xf32, #tpu.memory_space<vmem_shared>>, %arg13: memref<10240xf32, #tpu.memory_space<vmem_shared>>, %arg14: memref<40x128xi32, #tpu.memory_space<vmem>>, %arg15: memref<40x128xi32, #tpu.memory_space<vmem>>, %arg16: memref<128x128xf32, #tpu.memory_space<vmem>>, %arg17: memref<128x128xf32, #tpu.memory_space<vmem>>, %arg18: memref<128xf32, #tpu.memory_space<vmem>>, %arg19: memref<!tpu.dma_semaphore, #tpu.memory_space<semaphore_mem>>, %arg20: memref<!tpu.dma_semaphore, #tpu.memory_space<semaphore_mem>>, %arg21: memref<!tpu.dma_semaphore, #tpu.memory_space<semaphore_mem>>, %arg22: memref<!tpu.dma_semaphore, #tpu.memory_space<semaphore_mem>>, %arg23: memref<!tpu.dma_semaphore, #tpu.memory_space<semaphore_mem>>) attributes {dimension_semantics = [#tpu.dimension_semantics<core_parallel>, #tpu.dimension_semantics<subcore_parallel>], iteration_bounds = array<i64: 2, 16>, scalar_prefetch = 0 : i64, scratch_operands = 12 : i64, tpu.core_type = #tpu.core_type<sc_vector_subcore>, window_params = [{transform_indices = #map}, {transform_indices = #map}, {transform_indices = #map1}, {transform_indices = #map1}, {transform_indices = #map1}, {transform_indices = #map1}, {transform_indices = #map}, {transform_indices = #map2}, {transform_indices = #map}, {transform_indices = #map2}]} {
    %broadcast_in_dim3A = arith.constant 0.000000e+00 : f32
    %broadcast_in_dim3A_0 = vector.broadcast %broadcast_in_dim3A : f32 to vector<16xf32>
    %scan3A = arith.constant 0 : i32
    %scan3A_1 = arith.constant 0 : i32
    %scan3A_2 = arith.constant 128 : i32
    %scan3A_3 = arith.addi %scan3A_1, %scan3A_2 : i32
    %scan3A_4 = arith.constant 1 : i32
    %scan3A_5 = scf.for %scan3A_226 = %scan3A_1 to %scan3A_3 step %scan3A_4 iter_args(%scan3A_227 = %scan3A) -> (i32)  : i32 {
      %swap3A_228 = arith.index_cast %scan3A_226 : i32 to index
      %swap3A_229 = arith.constant 0 : index
      %swap3A_230 = tpu.vector_load %arg16[%swap3A_228, %swap3A_229] {strides = array<i32>} : memref<128x128xf32, #tpu.memory_space<vmem>>, vector<1x16xf32>,
      %swap3A_231 = vector.shape_cast %swap3A_230 : vector<1x16xf32> to vector<16xf32>
      %swap3A_232 = vector.shape_cast %broadcast_in_dim3A_0 : vector<16xf32> to vector<1x16xf32>
      tpu.vector_store %arg16[%swap3A_228, %swap3A_229], %swap3A_232 {strides = array<i32>} : memref<128x128xf32, #tpu.memory_space<vmem>>, vector<1x16xf32>,
      %swap3A_233 = arith.index_cast %scan3A_226 : i32 to index
      %swap3A_234 = arith.constant 16 : index
      %swap3A_235 = tpu.vector_load %arg16[%swap3A_233, %swap3A_234] {strides = array<i32>} : memref<128x128xf32, #tpu.memory_space<vmem>>, vector<1x16xf32>,
      %swap3A_236 = vector.shape_cast %swap3A_235 : vector<1x16xf32> to vector<16xf32>
      %swap3A_237 = vector.shape_cast %broadcast_in_dim3A_0 : vector<16xf32> to vector<1x16xf32>
      tpu.vector_store %arg16[%swap3A_233, %swap3A_234], %swap3A_237 {strides = array<i32>} : memref<128x128xf32, #tpu.memory_space<vmem>>, vector<1x16xf32>,
      %swap3A_238 = arith.index_cast %scan3A_226 : i32 to index
      %swap3A_239 = arith.constant 32 : index
      %swap3A_240 = tpu.vector_load %arg16[%swap3A_238, %swap3A_239] {strides = array<i32>} : memref<128x128xf32, #tpu.memory_space<vmem>>, vector<1x16xf32>,
      %swap3A_241 = vector.shape_cast %swap3A_240 : vector<1x16xf32> to vector<16xf32>
      %swap3A_242 = vector.shape_cast %broadcast_in_dim3A_0 : vector<16xf32> to vector<1x16xf32>
      tpu.vector_store %arg16[%swap3A_238, %swap3A_239], %swap3A_242 {strides = array<i32>} : memref<128x128xf32, #tpu.memory_space<vmem>>, vector<1x16xf32>,
      %swap3A_243 = arith.index_cast %scan3A_226 : i32 to index
      %swap3A_244 = arith.constant 48 : index
      %swap3A_245 = tpu.vector_load %arg16[%swap3A_243, %swap3A_244] {strides = array<i32>} : memref<128x128xf32, #tpu.memory_space<vmem>>, vector<1x16xf32>,
      %swap3A_246 = vector.shape_cast %swap3A_245 : vector<1x16xf32> to vector<16xf32>
      %swap3A_247 = vector.shape_cast %broadcast_in_dim3A_0 : vector<16xf32> to vector<1x16xf32>
      tpu.vector_store %arg16[%swap3A_243, %swap3A_244], %swap3A_247 {strides = array<i32>} : memref<128x128xf32, #tpu.memory_space<vmem>>, vector<1x16xf32>,
      %swap3A_248 = arith.index_cast %scan3A_226 : i32 to index
      %swap3A_249 = arith.constant 64 : index
      %swap3A_250 = tpu.vector_load %arg16[%swap3A_248, %swap3A_249] {strides = array<i32>} : memref<128x128xf32, #tpu.memory_space<vmem>>, vector<1x16xf32>,
      %swap3A_251 = vector.shape_cast %swap3A_250 : vector<1x16xf32> to vector<16xf32>
      %swap3A_252 = vector.shape_cast %broadcast_in_dim3A_0 : vector<16xf32> to vector<1x16xf32>
      tpu.vector_store %arg16[%swap3A_248, %swap3A_249], %swap3A_252 {strides = array<i32>} : memref<128x128xf32, #tpu.memory_space<vmem>>, vector<1x16xf32>,
      %swap3A_253 = arith.index_cast %scan3A_226 : i32 to index
      %swap3A_254 = arith.constant 80 : index
      %swap3A_255 = tpu.vector_load %arg16[%swap3A_253, %swap3A_254] {strides = array<i32>} : memref<128x128xf32, #tpu.memory_space<vmem>>, vector<1x16xf32>,
      %swap3A_256 = vector.shape_cast %swap3A_255 : vector<1x16xf32> to vector<16xf32>
      %swap3A_257 = vector.shape_cast %broadcast_in_dim3A_0 : vector<16xf32> to vector<1x16xf32>
      tpu.vector_store %arg16[%swap3A_253, %swap3A_254], %swap3A_257 {strides = array<i32>} : memref<128x128xf32, #tpu.memory_space<vmem>>, vector<1x16xf32>,
      %swap3A_258 = arith.index_cast %scan3A_226 : i32 to index
      %swap3A_259 = arith.constant 96 : index
      %swap3A_260 = tpu.vector_load %arg16[%swap3A_258, %swap3A_259] {strides = array<i32>} : memref<128x128xf32, #tpu.memory_space<vmem>>, vector<1x16xf32>,
      %swap3A_261 = vector.shape_cast %swap3A_260 : vector<1x16xf32> to vector<16xf32>
      %swap3A_262 = vector.shape_cast %broadcast_in_dim3A_0 : vector<16xf32> to vector<1x16xf32>
      tpu.vector_store %arg16[%swap3A_258, %swap3A_259], %swap3A_262 {strides = array<i32>} : memref<128x128xf32, #tpu.memory_space<vmem>>, vector<1x16xf32>,
      %swap3A_263 = arith.index_cast %scan3A_226 : i32 to index
      %swap3A_264 = arith.constant 112 : index
      %swap3A_265 = tpu.vector_load %arg16[%swap3A_263, %swap3A_264] {strides = array<i32>} : memref<128x128xf32, #tpu.memory_space<vmem>>, vector<1x16xf32>,
      %swap3A_266 = vector.shape_cast %swap3A_265 : vector<1x16xf32> to vector<16xf32>
      %swap3A_267 = vector.shape_cast %broadcast_in_dim3A_0 : vector<16xf32> to vector<1x16xf32>
      tpu.vector_store %arg16[%swap3A_263, %swap3A_264], %swap3A_267 {strides = array<i32>} : memref<128x128xf32, #tpu.memory_space<vmem>>, vector<1x16xf32>,
      %scan3A_268 = arith.constant 0 : i32
      scf.yield %scan3A_268 : i32
    }
    %scan3A_6 = arith.constant 128 : i32
    %broadcast_in_dim3A_7 = arith.constant 1.000000e+00 : f32
    %broadcast_in_dim3A_8 = vector.broadcast %broadcast_in_dim3A_7 : f32 to vector<16xf32>
    %swap3A = arith.constant 0 : index
    %swap3A_9 = tpu.vector_load %arg18[%swap3A] {strides = array<i32>} : memref<128xf32, #tpu.memory_space<vmem>>, vector<16xf32>,
    %swap3A_10 = vector.shape_cast %swap3A_9 : vector<16xf32> to vector<16xf32>
    %swap3A_11 = vector.shape_cast %broadcast_in_dim3A_8 : vector<16xf32> to vector<16xf32>
    tpu.vector_store %arg18[%swap3A], %swap3A_11 {strides = array<i32>} : memref<128xf32, #tpu.memory_space<vmem>>, vector<16xf32>,
    %swap3A_12 = arith.constant 16 : index
    %swap3A_13 = tpu.vector_load %arg18[%swap3A_12] {strides = array<i32>} : memref<128xf32, #tpu.memory_space<vmem>>, vector<16xf32>,
    %swap3A_14 = vector.shape_cast %swap3A_13 : vector<16xf32> to vector<16xf32>
    %swap3A_15 = vector.shape_cast %broadcast_in_dim3A_8 : vector<16xf32> to vector<16xf32>
    tpu.vector_store %arg18[%swap3A_12], %swap3A_15 {strides = array<i32>} : memref<128xf32, #tpu.memory_space<vmem>>, vector<16xf32>,
    %swap3A_16 = arith.constant 32 : index
    %swap3A_17 = tpu.vector_load %arg18[%swap3A_16] {strides = array<i32>} : memref<128xf32, #tpu.memory_space<vmem>>, vector<16xf32>,
    %swap3A_18 = vector.shape_cast %swap3A_17 : vector<16xf32> to vector<16xf32>
    %swap3A_19 = vector.shape_cast %broadcast_in_dim3A_8 : vector<16xf32> to vector<16xf32>
    tpu.vector_store %arg18[%swap3A_16], %swap3A_19 {strides = array<i32>} : memref<128xf32, #tpu.memory_space<vmem>>, vector<16xf32>,
    %swap3A_20 = arith.constant 48 : index
    %swap3A_21 = tpu.vector_load %arg18[%swap3A_20] {strides = array<i32>} : memref<128xf32, #tpu.memory_space<vmem>>, vector<16xf32>,
    %swap3A_22 = vector.shape_cast %swap3A_21 : vector<16xf32> to vector<16xf32>
    %swap3A_23 = vector.shape_cast %broadcast_in_dim3A_8 : vector<16xf32> to vector<16xf32>
    tpu.vector_store %arg18[%swap3A_20], %swap3A_23 {strides = array<i32>} : memref<128xf32, #tpu.memory_space<vmem>>, vector<16xf32>,
    %swap3A_24 = arith.constant 64 : index
    %swap3A_25 = tpu.vector_load %arg18[%swap3A_24] {strides = array<i32>} : memref<128xf32, #tpu.memory_space<vmem>>, vector<16xf32>,
    %swap3A_26 = vector.shape_cast %swap3A_25 : vector<16xf32> to vector<16xf32>
    %swap3A_27 = vector.shape_cast %broadcast_in_dim3A_8 : vector<16xf32> to vector<16xf32>
    tpu.vector_store %arg18[%swap3A_24], %swap3A_27 {strides = array<i32>} : memref<128xf32, #tpu.memory_space<vmem>>, vector<16xf32>,
    %swap3A_28 = arith.constant 80 : index
    %swap3A_29 = tpu.vector_load %arg18[%swap3A_28] {strides = array<i32>} : memref<128xf32, #tpu.memory_space<vmem>>, vector<16xf32>,
    %swap3A_30 = vector.shape_cast %swap3A_29 : vector<16xf32> to vector<16xf32>
    %swap3A_31 = vector.shape_cast %broadcast_in_dim3A_8 : vector<16xf32> to vector<16xf32>
    tpu.vector_store %arg18[%swap3A_28], %swap3A_31 {strides = array<i32>} : memref<128xf32, #tpu.memory_space<vmem>>, vector<16xf32>,
    %swap3A_32 = arith.constant 96 : index
    %swap3A_33 = tpu.vector_load %arg18[%swap3A_32] {strides = array<i32>} : memref<128xf32, #tpu.memory_space<vmem>>, vector<16xf32>,
    %swap3A_34 = vector.shape_cast %swap3A_33 : vector<16xf32> to vector<16xf32>
    %swap3A_35 = vector.shape_cast %broadcast_in_dim3A_8 : vector<16xf32> to vector<16xf32>
    tpu.vector_store %arg18[%swap3A_32], %swap3A_35 {strides = array<i32>} : memref<128xf32, #tpu.memory_space<vmem>>, vector<16xf32>,
    %swap3A_36 = arith.constant 112 : index
    %swap3A_37 = tpu.vector_load %arg18[%swap3A_36] {strides = array<i32>} : memref<128xf32, #tpu.memory_space<vmem>>, vector<16xf32>,
    %swap3A_38 = vector.shape_cast %swap3A_37 : vector<16xf32> to vector<16xf32>
    %swap3A_39 = vector.shape_cast %broadcast_in_dim3A_8 : vector<16xf32> to vector<16xf32>
    tpu.vector_store %arg18[%swap3A_36], %swap3A_39 {strides = array<i32>} : memref<128xf32, #tpu.memory_space<vmem>>, vector<16xf32>,
    %mul3A = arith.constant 640 : i32
    %mul3A_40 = arith.muli %arg1, %mul3A : i32
    %add3A = arith.constant 0 : i32
    %add3A_41 = arith.addi %mul3A_40, %add3A : i32
    %dma_start3A = arith.constant 0 : i32
    %dma_start3A_42 = tpu.memref_slice %arg12[%add3A_41, %dma_start3A] : memref<10240x128xf32, #tpu.memory_space<vmem_shared>> -> memref<128x128xf32, #tpu.memory_space<vmem_shared>>
    %dma_start3A_43 = arith.constant 0 : i32
    %dma_start3A_44 = tpu.memref_slice %arg12[%add3A_41, %dma_start3A_43] : memref<10240x128xf32, #tpu.memory_space<vmem_shared>> -> memref<128x128xf32, #tpu.memory_space<vmem_shared>>
    tpu.enqueue_dma source(%arg16 : memref<128x128xf32, #tpu.memory_space<vmem>>) target(%dma_start3A_44 : memref<128x128xf32, #tpu.memory_space<vmem_shared>>) target_semaphore(%arg19 : memref<!tpu.dma_semaphore, #tpu.memory_space<semaphore_mem>>)
    %add3A_45 = arith.constant 0 : i32
    %add3A_46 = arith.addi %mul3A_40, %add3A_45 : i32
    %dma_start3A_47 = arith.constant 0 : i32
    %dma_start3A_48 = arith.constant 0 : i32
    %dma_start3A_49 = tpu.memref_slice %arg16[%dma_start3A_47, %dma_start3A_48] : memref<128x128xf32, #tpu.memory_space<vmem>> -> memref<1x128xf32, #tpu.memory_space<vmem>>
    %dma_start3A_50 = tpu.memref_squeeze %dma_start3A_49 : memref<1x128xf32, #tpu.memory_space<vmem>> -> memref<128xf32, #tpu.memory_space<vmem>>
    %dma_start3A_51 = tpu.memref_slice %arg13[%add3A_46] : memref<10240xf32, #tpu.memory_space<vmem_shared>> -> memref<128xf32, #tpu.memory_space<vmem_shared>>
    %dma_start3A_52 = tpu.memref_slice %arg13[%add3A_46] : memref<10240xf32, #tpu.memory_space<vmem_shared>> -> memref<128xf32, #tpu.memory_space<vmem_shared>>
    %dma_start3A_53 = arith.constant 0 : i32
    %dma_start3A_54 = tpu.memref_slice %arg16[%dma_start3A_47, %dma_start3A_53] : memref<128x128xf32, #tpu.memory_space<vmem>> -> memref<1x128xf32, #tpu.memory_space<vmem>>
    %dma_start3A_55 = tpu.memref_squeeze %dma_start3A_54 : memref<1x128xf32, #tpu.memory_space<vmem>> -> memref<128xf32, #tpu.memory_space<vmem>>
    tpu.enqueue_dma source(%dma_start3A_55 : memref<128xf32, #tpu.memory_space<vmem>>) target(%dma_start3A_52 : memref<128xf32, #tpu.memory_space<vmem_shared>>) target_semaphore(%arg20 : memref<!tpu.dma_semaphore, #tpu.memory_space<semaphore_mem>>)
    %add3A_56 = arith.constant 128 : i32
    %add3A_57 = arith.addi %mul3A_40, %add3A_56 : i32
    %dma_start3A_58 = arith.constant 0 : i32
    %dma_start3A_59 = tpu.memref_slice %arg12[%add3A_57, %dma_start3A_58] : memref<10240x128xf32, #tpu.memory_space<vmem_shared>> -> memref<128x128xf32, #tpu.memory_space<vmem_shared>>
    %dma_start3A_60 = arith.constant 0 : i32
    %dma_start3A_61 = tpu.memref_slice %arg12[%add3A_57, %dma_start3A_60] : memref<10240x128xf32, #tpu.memory_space<vmem_shared>> -> memref<128x128xf32, #tpu.memory_space<vmem_shared>>
    tpu.enqueue_dma source(%arg16 : memref<128x128xf32, #tpu.memory_space<vmem>>) target(%dma_start3A_61 : memref<128x128xf32, #tpu.memory_space<vmem_shared>>) target_semaphore(%arg19 : memref<!tpu.dma_semaphore, #tpu.memory_space<semaphore_mem>>)
    %add3A_62 = arith.constant 128 : i32
    %add3A_63 = arith.addi %mul3A_40, %add3A_62 : i32
    %dma_start3A_64 = arith.constant 0 : i32
    %dma_start3A_65 = arith.constant 0 : i32
    %dma_start3A_66 = tpu.memref_slice %arg16[%dma_start3A_64, %dma_start3A_65] : memref<128x128xf32, #tpu.memory_space<vmem>> -> memref<1x128xf32, #tpu.memory_space<vmem>>
    %dma_start3A_67 = tpu.memref_squeeze %dma_start3A_66 : memref<1x128xf32, #tpu.memory_space<vmem>> -> memref<128xf32, #tpu.memory_space<vmem>>
    %dma_start3A_68 = tpu.memref_slice %arg13[%add3A_63] : memref<10240xf32, #tpu.memory_space<vmem_shared>> -> memref<128xf32, #tpu.memory_space<vmem_shared>>
    %dma_start3A_69 = tpu.memref_slice %arg13[%add3A_63] : memref<10240xf32, #tpu.memory_space<vmem_shared>> -> memref<128xf32, #tpu.memory_space<vmem_shared>>
    %dma_start3A_70 = arith.constant 0 : i32
    %dma_start3A_71 = tpu.memref_slice %arg16[%dma_start3A_64, %dma_start3A_70] : memref<128x128xf32, #tpu.memory_space<vmem>> -> memref<1x128xf32, #tpu.memory_space<vmem>>
    %dma_start3A_72 = tpu.memref_squeeze %dma_start3A_71 : memref<1x128xf32, #tpu.memory_space<vmem>> -> memref<128xf32, #tpu.memory_space<vmem>>
    tpu.enqueue_dma source(%dma_start3A_72 : memref<128xf32, #tpu.memory_space<vmem>>) target(%dma_start3A_69 : memref<128xf32, #tpu.memory_space<vmem_shared>>) target_semaphore(%arg20 : memref<!tpu.dma_semaphore, #tpu.memory_space<semaphore_mem>>)
    %add3A_73 = arith.constant 256 : i32
    %add3A_74 = arith.addi %mul3A_40, %add3A_73 : i32
    %dma_start3A_75 = arith.constant 0 : i32
    %dma_start3A_76 = tpu.memref_slice %arg12[%add3A_74, %dma_start3A_75] : memref<10240x128xf32, #tpu.memory_space<vmem_shared>> -> memref<128x128xf32, #tpu.memory_space<vmem_shared>>
    %dma_start3A_77 = arith.constant 0 : i32
    %dma_start3A_78 = tpu.memref_slice %arg12[%add3A_74, %dma_start3A_77] : memref<10240x128xf32, #tpu.memory_space<vmem_shared>> -> memref<128x128xf32, #tpu.memory_space<vmem_shared>>
    tpu.enqueue_dma source(%arg16 : memref<128x128xf32, #tpu.memory_space<vmem>>) target(%dma_start3A_78 : memref<128x128xf32, #tpu.memory_space<vmem_shared>>) target_semaphore(%arg19 : memref<!tpu.dma_semaphore, #tpu.memory_space<semaphore_mem>>)
    %add3A_79 = arith.constant 256 : i32
    %add3A_80 = arith.addi %mul3A_40, %add3A_79 : i32
    %dma_start3A_81 = arith.constant 0 : i32
    %dma_start3A_82 = arith.constant 0 : i32
    %dma_start3A_83 = tpu.memref_slice %arg16[%dma_start3A_81, %dma_start3A_82] : memref<128x128xf32, #tpu.memory_space<vmem>> -> memref<1x128xf32, #tpu.memory_space<vmem>>
    %dma_start3A_84 = tpu.memref_squeeze %dma_start3A_83 : memref<1x128xf32, #tpu.memory_space<vmem>> -> memref<128xf32, #tpu.memory_space<vmem>>
    %dma_start3A_85 = tpu.memref_slice %arg13[%add3A_80] : memref<10240xf32, #tpu.memory_space<vmem_shared>> -> memref<128xf32, #tpu.memory_space<vmem_shared>>
    %dma_start3A_86 = tpu.memref_slice %arg13[%add3A_80] : memref<10240xf32, #tpu.memory_space<vmem_shared>> -> memref<128xf32, #tpu.memory_space<vmem_shared>>
    %dma_start3A_87 = arith.constant 0 : i32
    %dma_start3A_88 = tpu.memref_slice %arg16[%dma_start3A_81, %dma_start3A_87] : memref<128x128xf32, #tpu.memory_space<vmem>> -> memref<1x128xf32, #tpu.memory_space<vmem>>
    %dma_start3A_89 = tpu.memref_squeeze %dma_start3A_88 : memref<1x128xf32, #tpu.memory_space<vmem>> -> memref<128xf32, #tpu.memory_space<vmem>>
    tpu.enqueue_dma source(%dma_start3A_89 : memref<128xf32, #tpu.memory_space<vmem>>) target(%dma_start3A_86 : memref<128xf32, #tpu.memory_space<vmem_shared>>) target_semaphore(%arg20 : memref<!tpu.dma_semaphore, #tpu.memory_space<semaphore_mem>>)
    %add3A_90 = arith.constant 384 : i32
    %add3A_91 = arith.addi %mul3A_40, %add3A_90 : i32
    %dma_start3A_92 = arith.constant 0 : i32
    %dma_start3A_93 = tpu.memref_slice %arg12[%add3A_91, %dma_start3A_92] : memref<10240x128xf32, #tpu.memory_space<vmem_shared>> -> memref<128x128xf32, #tpu.memory_space<vmem_shared>>
    %dma_start3A_94 = arith.constant 0 : i32
    %dma_start3A_95 = tpu.memref_slice %arg12[%add3A_91, %dma_start3A_94] : memref<10240x128xf32, #tpu.memory_space<vmem_shared>> -> memref<128x128xf32, #tpu.memory_space<vmem_shared>>
    tpu.enqueue_dma source(%arg16 : memref<128x128xf32, #tpu.memory_space<vmem>>) target(%dma_start3A_95 : memref<128x128xf32, #tpu.memory_space<vmem_shared>>) target_semaphore(%arg19 : memref<!tpu.dma_semaphore, #tpu.memory_space<semaphore_mem>>)
    %add3A_96 = arith.constant 384 : i32
    %add3A_97 = arith.addi %mul3A_40, %add3A_96 : i32
    %dma_start3A_98 = arith.constant 0 : i32
    %dma_start3A_99 = arith.constant 0 : i32
    %dma_start3A_100 = tpu.memref_slice %arg16[%dma_start3A_98, %dma_start3A_99] : memref<128x128xf32, #tpu.memory_space<vmem>> -> memref<1x128xf32, #tpu.memory_space<vmem>>
    %dma_start3A_101 = tpu.memref_squeeze %dma_start3A_100 : memref<1x128xf32, #tpu.memory_space<vmem>> -> memref<128xf32, #tpu.memory_space<vmem>>
    %dma_start3A_102 = tpu.memref_slice %arg13[%add3A_97] : memref<10240xf32, #tpu.memory_space<vmem_shared>> -> memref<128xf32, #tpu.memory_space<vmem_shared>>
    %dma_start3A_103 = tpu.memref_slice %arg13[%add3A_97] : memref<10240xf32, #tpu.memory_space<vmem_shared>> -> memref<128xf32, #tpu.memory_space<vmem_shared>>
    %dma_start3A_104 = arith.constant 0 : i32
    %dma_start3A_105 = tpu.memref_slice %arg16[%dma_start3A_98, %dma_start3A_104] : memref<128x128xf32, #tpu.memory_space<vmem>> -> memref<1x128xf32, #tpu.memory_space<vmem>>
    %dma_start3A_106 = tpu.memref_squeeze %dma_start3A_105 : memref<1x128xf32, #tpu.memory_space<vmem>> -> memref<128xf32, #tpu.memory_space<vmem>>
    tpu.enqueue_dma source(%dma_start3A_106 : memref<128xf32, #tpu.memory_space<vmem>>) target(%dma_start3A_103 : memref<128xf32, #tpu.memory_space<vmem_shared>>) target_semaphore(%arg20 : memref<!tpu.dma_semaphore, #tpu.memory_space<semaphore_mem>>)
    %add3A_107 = arith.constant 512 : i32
    %add3A_108 = arith.addi %mul3A_40, %add3A_107 : i32
    %dma_start3A_109 = arith.constant 0 : i32
    %dma_start3A_110 = tpu.memref_slice %arg12[%add3A_108, %dma_start3A_109] : memref<10240x128xf32, #tpu.memory_space<vmem_shared>> -> memref<128x128xf32, #tpu.memory_space<vmem_shared>>
    %dma_start3A_111 = arith.constant 0 : i32
    %dma_start3A_112 = tpu.memref_slice %arg12[%add3A_108, %dma_start3A_111] : memref<10240x128xf32, #tpu.memory_space<vmem_shared>> -> memref<128x128xf32, #tpu.memory_space<vmem_shared>>
    tpu.enqueue_dma source(%arg16 : memref<128x128xf32, #tpu.memory_space<vmem>>) target(%dma_start3A_112 : memref<128x128xf32, #tpu.memory_space<vmem_shared>>) target_semaphore(%arg19 : memref<!tpu.dma_semaphore, #tpu.memory_space<semaphore_mem>>)
    %add3A_113 = arith.constant 512 : i32
    %add3A_114 = arith.addi %mul3A_40, %add3A_113 : i32
    %dma_start3A_115 = arith.constant 0 : i32
    %dma_start3A_116 = arith.constant 0 : i32
    %dma_start3A_117 = tpu.memref_slice %arg16[%dma_start3A_115, %dma_start3A_116] : memref<128x128xf32, #tpu.memory_space<vmem>> -> memref<1x128xf32, #tpu.memory_space<vmem>>
    %dma_start3A_118 = tpu.memref_squeeze %dma_start3A_117 : memref<1x128xf32, #tpu.memory_space<vmem>> -> memref<128xf32, #tpu.memory_space<vmem>>
    %dma_start3A_119 = tpu.memref_slice %arg13[%add3A_114] : memref<10240xf32, #tpu.memory_space<vmem_shared>> -> memref<128xf32, #tpu.memory_space<vmem_shared>>
    %dma_start3A_120 = tpu.memref_slice %arg13[%add3A_114] : memref<10240xf32, #tpu.memory_space<vmem_shared>> -> memref<128xf32, #tpu.memory_space<vmem_shared>>
    %dma_start3A_121 = arith.constant 0 : i32
    %dma_start3A_122 = tpu.memref_slice %arg16[%dma_start3A_115, %dma_start3A_121] : memref<128x128xf32, #tpu.memory_space<vmem>> -> memref<1x128xf32, #tpu.memory_space<vmem>>
    %dma_start3A_123 = tpu.memref_squeeze %dma_start3A_122 : memref<1x128xf32, #tpu.memory_space<vmem>> -> memref<128xf32, #tpu.memory_space<vmem>>
    tpu.enqueue_dma source(%dma_start3A_123 : memref<128xf32, #tpu.memory_space<vmem>>) target(%dma_start3A_120 : memref<128xf32, #tpu.memory_space<vmem_shared>>) target_semaphore(%arg20 : memref<!tpu.dma_semaphore, #tpu.memory_space<semaphore_mem>>)
    %add3A_124 = arith.constant 0 : i32
    %add3A_125 = arith.addi %mul3A_40, %add3A_124 : i32
    %dma_wait3A = arith.constant 0 : i32
    %dma_wait3A_126 = tpu.memref_slice %arg12[%add3A_125, %dma_wait3A] : memref<10240x128xf32, #tpu.memory_space<vmem_shared>> -> memref<128x128xf32, #tpu.memory_space<vmem_shared>>
    %dma_wait3A_127 = arith.constant 0 : i32
    %dma_wait3A_128 = tpu.memref_slice %arg12[%add3A_125, %dma_wait3A_127] : memref<10240x128xf32, #tpu.memory_space<vmem_shared>> -> memref<128x128xf32, #tpu.memory_space<vmem_shared>>
    tpu.wait_dma2 semaphore(%arg19 : memref<!tpu.dma_semaphore, #tpu.memory_space<semaphore_mem>>) src(%arg16 : memref<128x128xf32, #tpu.memory_space<vmem>>) dst(%dma_wait3A_128 : memref<128x128xf32, #tpu.memory_space<vmem_shared>>)
    %add3A_129 = arith.constant 0 : i32
    %add3A_130 = arith.addi %mul3A_40, %add3A_129 : i32
    %dma_wait3A_131 = arith.constant 0 : i32
    %dma_wait3A_132 = arith.constant 0 : i32
    %dma_wait3A_133 = tpu.memref_slice %arg16[%dma_wait3A_131, %dma_wait3A_132] : memref<128x128xf32, #tpu.memory_space<vmem>> -> memref<1x128xf32, #tpu.memory_space<vmem>>
    %dma_wait3A_134 = tpu.memref_squeeze %dma_wait3A_133 : memref<1x128xf32, #tpu.memory_space<vmem>> -> memref<128xf32, #tpu.memory_space<vmem>>
    %dma_wait3A_135 = tpu.memref_slice %arg13[%add3A_130] : memref<10240xf32, #tpu.memory_space<vmem_shared>> -> memref<128xf32, #tpu.memory_space<vmem_shared>>
    %dma_wait3A_136 = tpu.memref_slice %arg13[%add3A_130] : memref<10240xf32, #tpu.memory_space<vmem_shared>> -> memref<128xf32, #tpu.memory_space<vmem_shared>>
    %dma_wait3A_137 = arith.constant 0 : i32
    %dma_wait3A_138 = tpu.memref_slice %arg16[%dma_wait3A_131, %dma_wait3A_137] : memref<128x128xf32, #tpu.memory_space<vmem>> -> memref<1x128xf32, #tpu.memory_space<vmem>>
    %dma_wait3A_139 = tpu.memref_squeeze %dma_wait3A_138 : memref<1x128xf32, #tpu.memory_space<vmem>> -> memref<128xf32, #tpu.memory_space<vmem>>
    tpu.wait_dma2 semaphore(%arg20 : memref<!tpu.dma_semaphore, #tpu.memory_space<semaphore_mem>>) src(%dma_wait3A_139 : memref<128xf32, #tpu.memory_space<vmem>>) dst(%dma_wait3A_136 : memref<128xf32, #tpu.memory_space<vmem_shared>>)
    %add3A_140 = arith.constant 128 : i32
    %add3A_141 = arith.addi %mul3A_40, %add3A_140 : i32
    %dma_wait3A_142 = arith.constant 0 : i32
    %dma_wait3A_143 = tpu.memref_slice %arg12[%add3A_141, %dma_wait3A_142] : memref<10240x128xf32, #tpu.memory_space<vmem_shared>> -> memref<128x128xf32, #tpu.memory_space<vmem_shared>>
    %dma_wait3A_144 = arith.constant 0 : i32
    %dma_wait3A_145 = tpu.memref_slice %arg12[%add3A_141, %dma_wait3A_144] : memref<10240x128xf32, #tpu.memory_space<vmem_shared>> -> memref<128x128xf32, #tpu.memory_space<vmem_shared>>
    tpu.wait_dma2 semaphore(%arg19 : memref<!tpu.dma_semaphore, #tpu.memory_space<semaphore_mem>>) src(%arg16 : memref<128x128xf32, #tpu.memory_space<vmem>>) dst(%dma_wait3A_145 : memref<128x128xf32, #tpu.memory_space<vmem_shared>>)
    %add3A_146 = arith.constant 128 : i32
    %add3A_147 = arith.addi %mul3A_40, %add3A_146 : i32
    %dma_wait3A_148 = arith.constant 0 : i32
    %dma_wait3A_149 = arith.constant 0 : i32
    %dma_wait3A_150 = tpu.memref_slice %arg16[%dma_wait3A_148, %dma_wait3A_149] : memref<128x128xf32, #tpu.memory_space<vmem>> -> memref<1x128xf32, #tpu.memory_space<vmem>>
    %dma_wait3A_151 = tpu.memref_squeeze %dma_wait3A_150 : memref<1x128xf32, #tpu.memory_space<vmem>> -> memref<128xf32, #tpu.memory_space<vmem>>
    %dma_wait3A_152 = tpu.memref_slice %arg13[%add3A_147] : memref<10240xf32, #tpu.memory_space<vmem_shared>> -> memref<128xf32, #tpu.memory_space<vmem_shared>>
    %dma_wait3A_153 = tpu.memref_slice %arg13[%add3A_147] : memref<10240xf32, #tpu.memory_space<vmem_shared>> -> memref<128xf32, #tpu.memory_space<vmem_shared>>
    %dma_wait3A_154 = arith.constant 0 : i32
    %dma_wait3A_155 = tpu.memref_slice %arg16[%dma_wait3A_148, %dma_wait3A_154] : memref<128x128xf32, #tpu.memory_space<vmem>> -> memref<1x128xf32, #tpu.memory_space<vmem>>
    %dma_wait3A_156 = tpu.memref_squeeze %dma_wait3A_155 : memref<1x128xf32, #tpu.memory_space<vmem>> -> memref<128xf32, #tpu.memory_space<vmem>>
    tpu.wait_dma2 semaphore(%arg20 : memref<!tpu.dma_semaphore, #tpu.memory_space<semaphore_mem>>) src(%dma_wait3A_156 : memref<128xf32, #tpu.memory_space<vmem>>) dst(%dma_wait3A_153 : memref<128xf32, #tpu.memory_space<vmem_shared>>)
    %add3A_157 = arith.constant 256 : i32
    %add3A_158 = arith.addi %mul3A_40, %add3A_157 : i32
    %dma_wait3A_159 = arith.constant 0 : i32
    %dma_wait3A_160 = tpu.memref_slice %arg12[%add3A_158, %dma_wait3A_159] : memref<10240x128xf32, #tpu.memory_space<vmem_shared>> -> memref<128x128xf32, #tpu.memory_space<vmem_shared>>
    %dma_wait3A_161 = arith.constant 0 : i32
    %dma_wait3A_162 = tpu.memref_slice %arg12[%add3A_158, %dma_wait3A_161] : memref<10240x128xf32, #tpu.memory_space<vmem_shared>> -> memref<128x128xf32, #tpu.memory_space<vmem_shared>>
    tpu.wait_dma2 semaphore(%arg19 : memref<!tpu.dma_semaphore, #tpu.memory_space<semaphore_mem>>) src(%arg16 : memref<128x128xf32, #tpu.memory_space<vmem>>) dst(%dma_wait3A_162 : memref<128x128xf32, #tpu.memory_space<vmem_shared>>)
    %add3A_163 = arith.constant 256 : i32
    %add3A_164 = arith.addi %mul3A_40, %add3A_163 : i32
    %dma_wait3A_165 = arith.constant 0 : i32
    %dma_wait3A_166 = arith.constant 0 : i32
    %dma_wait3A_167 = tpu.memref_slice %arg16[%dma_wait3A_165, %dma_wait3A_166] : memref<128x128xf32, #tpu.memory_space<vmem>> -> memref<1x128xf32, #tpu.memory_space<vmem>>
    %dma_wait3A_168 = tpu.memref_squeeze %dma_wait3A_167 : memref<1x128xf32, #tpu.memory_space<vmem>> -> memref<128xf32, #tpu.memory_space<vmem>>
    %dma_wait3A_169 = tpu.memref_slice %arg13[%add3A_164] : memref<10240xf32, #tpu.memory_space<vmem_shared>> -> memref<128xf32, #tpu.memory_space<vmem_shared>>
    %dma_wait3A_170 = tpu.memref_slice %arg13[%add3A_164] : memref<10240xf32, #tpu.memory_space<vmem_shared>> -> memref<128xf32, #tpu.memory_space<vmem_shared>>
    %dma_wait3A_171 = arith.constant 0 : i32
    %dma_wait3A_172 = tpu.memref_slice %arg16[%dma_wait3A_165, %dma_wait3A_171] : memref<128x128xf32, #tpu.memory_space<vmem>> -> memref<1x128xf32, #tpu.memory_space<vmem>>
    %dma_wait3A_173 = tpu.memref_squeeze %dma_wait3A_172 : memref<1x128xf32, #tpu.memory_space<vmem>> -> memref<128xf32, #tpu.memory_space<vmem>>
    tpu.wait_dma2 semaphore(%arg20 : memref<!tpu.dma_semaphore, #tpu.memory_space<semaphore_mem>>) src(%dma_wait3A_173 : memref<128xf32, #tpu.memory_space<vmem>>) dst(%dma_wait3A_170 : memref<128xf32, #tpu.memory_space<vmem_shared>>)
    %add3A_174 = arith.constant 384 : i32
    %add3A_175 = arith.addi %mul3A_40, %add3A_174 : i32
    %dma_wait3A_176 = arith.constant 0 : i32
    %dma_wait3A_177 = tpu.memref_slice %arg12[%add3A_175, %dma_wait3A_176] : memref<10240x128xf32, #tpu.memory_space<vmem_shared>> -> memref<128x128xf32, #tpu.memory_space<vmem_shared>>
    %dma_wait3A_178 = arith.constant 0 : i32
    %dma_wait3A_179 = tpu.memref_slice %arg12[%add3A_175, %dma_wait3A_178] : memref<10240x128xf32, #tpu.memory_space<vmem_shared>> -> memref<128x128xf32, #tpu.memory_space<vmem_shared>>
    tpu.wait_dma2 semaphore(%arg19 : memref<!tpu.dma_semaphore, #tpu.memory_space<semaphore_mem>>) src(%arg16 : memref<128x128xf32, #tpu.memory_space<vmem>>) dst(%dma_wait3A_179 : memref<128x128xf32, #tpu.memory_space<vmem_shared>>)
    %add3A_180 = arith.constant 384 : i32
    %add3A_181 = arith.addi %mul3A_40, %add3A_180 : i32
    %dma_wait3A_182 = arith.constant 0 : i32
    %dma_wait3A_183 = arith.constant 0 : i32
    %dma_wait3A_184 = tpu.memref_slice %arg16[%dma_wait3A_182, %dma_wait3A_183] : memref<128x128xf32, #tpu.memory_space<vmem>> -> memref<1x128xf32, #tpu.memory_space<vmem>>
    %dma_wait3A_185 = tpu.memref_squeeze %dma_wait3A_184 : memref<1x128xf32, #tpu.memory_space<vmem>> -> memref<128xf32, #tpu.memory_space<vmem>>
    %dma_wait3A_186 = tpu.memref_slice %arg13[%add3A_181] : memref<10240xf32, #tpu.memory_space<vmem_shared>> -> memref<128xf32, #tpu.memory_space<vmem_shared>>
    %dma_wait3A_187 = tpu.memref_slice %arg13[%add3A_181] : memref<10240xf32, #tpu.memory_space<vmem_shared>> -> memref<128xf32, #tpu.memory_space<vmem_shared>>
    %dma_wait3A_188 = arith.constant 0 : i32
    %dma_wait3A_189 = tpu.memref_slice %arg16[%dma_wait3A_182, %dma_wait3A_188] : memref<128x128xf32, #tpu.memory_space<vmem>> -> memref<1x128xf32, #tpu.memory_space<vmem>>
    %dma_wait3A_190 = tpu.memref_squeeze %dma_wait3A_189 : memref<1x128xf32, #tpu.memory_space<vmem>> -> memref<128xf32, #tpu.memory_space<vmem>>
    tpu.wait_dma2 semaphore(%arg20 : memref<!tpu.dma_semaphore, #tpu.memory_space<semaphore_mem>>) src(%dma_wait3A_190 : memref<128xf32, #tpu.memory_space<vmem>>) dst(%dma_wait3A_187 : memref<128xf32, #tpu.memory_space<vmem_shared>>)
    %add3A_191 = arith.constant 512 : i32
    %add3A_192 = arith.addi %mul3A_40, %add3A_191 : i32
    %dma_wait3A_193 = arith.constant 0 : i32
    %dma_wait3A_194 = tpu.memref_slice %arg12[%add3A_192, %dma_wait3A_193] : memref<10240x128xf32, #tpu.memory_space<vmem_shared>> -> memref<128x128xf32, #tpu.memory_space<vmem_shared>>
    %dma_wait3A_195 = arith.constant 0 : i32
    %dma_wait3A_196 = tpu.memref_slice %arg12[%add3A_192, %dma_wait3A_195] : memref<10240x128xf32, #tpu.memory_space<vmem_shared>> -> memref<128x128xf32, #tpu.memory_space<vmem_shared>>
    tpu.wait_dma2 semaphore(%arg19 : memref<!tpu.dma_semaphore, #tpu.memory_space<semaphore_mem>>) src(%arg16 : memref<128x128xf32, #tpu.memory_space<vmem>>) dst(%dma_wait3A_196 : memref<128x128xf32, #tpu.memory_space<vmem_shared>>)
    %add3A_197 = arith.constant 512 : i32
    %add3A_198 = arith.addi %mul3A_40, %add3A_197 : i32
    %dma_wait3A_199 = arith.constant 0 : i32
    %dma_wait3A_200 = arith.constant 0 : i32
    %dma_wait3A_201 = tpu.memref_slice %arg16[%dma_wait3A_199, %dma_wait3A_200] : memref<128x128xf32, #tpu.memory_space<vmem>> -> memref<1x128xf32, #tpu.memory_space<vmem>>
    %dma_wait3A_202 = tpu.memref_squeeze %dma_wait3A_201 : memref<1x128xf32, #tpu.memory_space<vmem>> -> memref<128xf32, #tpu.memory_space<vmem>>
    %dma_wait3A_203 = tpu.memref_slice %arg13[%add3A_198] : memref<10240xf32, #tpu.memory_space<vmem_shared>> -> memref<128xf32, #tpu.memory_space<vmem_shared>>
    %dma_wait3A_204 = tpu.memref_slice %arg13[%add3A_198] : memref<10240xf32, #tpu.memory_space<vmem_shared>> -> memref<128xf32, #tpu.memory_space<vmem_shared>>
    %dma_wait3A_205 = arith.constant 0 : i32
    %dma_wait3A_206 = tpu.memref_slice %arg16[%dma_wait3A_199, %dma_wait3A_205] : memref<128x128xf32, #tpu.memory_space<vmem>> -> memref<1x128xf32, #tpu.memory_space<vmem>>
    %dma_wait3A_207 = tpu.memref_squeeze %dma_wait3A_206 : memref<1x128xf32, #tpu.memory_space<vmem>> -> memref<128xf32, #tpu.memory_space<vmem>>
    tpu.wait_dma2 semaphore(%arg20 : memref<!tpu.dma_semaphore, #tpu.memory_space<semaphore_mem>>) src(%dma_wait3A_207 : memref<128xf32, #tpu.memory_space<vmem>>) dst(%dma_wait3A_204 : memref<128xf32, #tpu.memory_space<vmem_shared>>)
    %barrier3A = arith.constant 0 : index
    tpu.barrier barrier_id(%barrier3A)
    %eq3A = arith.constant 0 : i32
    %eq3A_208 = arith.cmpi eq, %arg0, %eq3A : i32
    %convert_element_type3A = arith.extui %eq3A_208 : i1 to i32
    %cond3A = arith.constant 0 : i32
    %cond3A_209 = arith.cmpi ne, %convert_element_type3A, %cond3A : i32
    scf.if %cond3A_209 {
      %scan3A_226 = arith.constant 0 : i32
      %scan3A_227 = arith.constant 0 : i32
      %scan3A_228 = arith.constant 4 : i32
      %scan3A_229 = arith.addi %scan3A_227, %scan3A_228 : i32
      %scan3A_230 = arith.constant 1 : i32
      %scan3A_231 = scf.for %scan3A_233 = %scan3A_227 to %scan3A_229 step %scan3A_230 iter_args(%scan3A_234 = %scan3A_226) -> (i32)  : i32 {
        %mul3A_235 = arith.constant 40 : i32
        %mul3A_236 = arith.muli %scan3A_233, %mul3A_235 : i32
        "tpu.region"() ({
          %run_scoped3A = tpu.sem_alloc : memref<!tpu.dma_semaphore, #tpu.memory_space<semaphore_mem>>
          %dma_start3A_273 = arith.constant 0 : i32
          %dma_start3A_274 = tpu.memref_slice %arg4[%arg1, %mul3A_236, %dma_start3A_273] : memref<16x160x128xi32, #tpu.memory_space<hbm>> -> memref<1x40x128xi32, #tpu.memory_space<hbm>>
          %dma_start3A_275 = tpu.memref_squeeze %dma_start3A_274 : memref<1x40x128xi32, #tpu.memory_space<hbm>> -> memref<40x128xi32, #tpu.memory_space<hbm>>
          %dma_start3A_276 = arith.constant 0 : i32
          %dma_start3A_277 = tpu.memref_slice %arg4[%arg1, %mul3A_236, %dma_start3A_276] : memref<16x160x128xi32, #tpu.memory_space<hbm>> -> memref<1x40x128xi32, #tpu.memory_space<hbm>>
          %dma_start3A_278 = tpu.memref_squeeze %dma_start3A_277 : memref<1x40x128xi32, #tpu.memory_space<hbm>> -> memref<40x128xi32, #tpu.memory_space<hbm>>
          tpu.enqueue_dma source(%dma_start3A_278 : memref<40x128xi32, #tpu.memory_space<hbm>>) target(%arg14 : memref<40x128xi32, #tpu.memory_space<vmem>>) target_semaphore(%run_scoped3A : memref<!tpu.dma_semaphore, #tpu.memory_space<semaphore_mem>>)
          %dma_wait3A_279 = arith.constant 0 : i32
          %dma_wait3A_280 = tpu.memref_slice %arg4[%arg1, %mul3A_236, %dma_wait3A_279] : memref<16x160x128xi32, #tpu.memory_space<hbm>> -> memref<1x40x128xi32, #tpu.memory_space<hbm>>
          %dma_wait3A_281 = tpu.memref_squeeze %dma_wait3A_280 : memref<1x40x128xi32, #tpu.memory_space<hbm>> -> memref<40x128xi32, #tpu.memory_space<hbm>>
          %dma_wait3A_282 = arith.constant 0 : i32
          %dma_wait3A_283 = tpu.memref_slice %arg4[%arg1, %mul3A_236, %dma_wait3A_282] : memref<16x160x128xi32, #tpu.memory_space<hbm>> -> memref<1x40x128xi32, #tpu.memory_space<hbm>>
          %dma_wait3A_284 = tpu.memref_squeeze %dma_wait3A_283 : memref<1x40x128xi32, #tpu.memory_space<hbm>> -> memref<40x128xi32, #tpu.memory_space<hbm>>
          tpu.wait_dma2 semaphore(%run_scoped3A : memref<!tpu.dma_semaphore, #tpu.memory_space<semaphore_mem>>) src(%dma_wait3A_284 : memref<40x128xi32, #tpu.memory_space<hbm>>) dst(%arg14 : memref<40x128xi32, #tpu.memory_space<vmem>>)
          tpu.yield
        }) : () -> ()
        %mul3A_237 = arith.constant 40 : i32
        %mul3A_238 = arith.muli %scan3A_233, %mul3A_237 : i32
        "tpu.region"() ({
          %run_scoped3A = tpu.sem_alloc : memref<!tpu.dma_semaphore, #tpu.memory_space<semaphore_mem>>
          %dma_start3A_273 = arith.constant 0 : i32
          %dma_start3A_274 = tpu.memref_slice %arg5[%arg1, %mul3A_238, %dma_start3A_273] : memref<16x160x128xi32, #tpu.memory_space<hbm>> -> memref<1x40x128xi32, #tpu.memory_space<hbm>>
          %dma_start3A_275 = tpu.memref_squeeze %dma_start3A_274 : memref<1x40x128xi32, #tpu.memory_space<hbm>> -> memref<40x128xi32, #tpu.memory_space<hbm>>
          %dma_start3A_276 = arith.constant 0 : i32
          %dma_start3A_277 = tpu.memref_slice %arg5[%arg1, %mul3A_238, %dma_start3A_276] : memref<16x160x128xi32, #tpu.memory_space<hbm>> -> memref<1x40x128xi32, #tpu.memory_space<hbm>>
          %dma_start3A_278 = tpu.memref_squeeze %dma_start3A_277 : memref<1x40x128xi32, #tpu.memory_space<hbm>> -> memref<40x128xi32, #tpu.memory_space<hbm>>
          tpu.enqueue_dma source(%dma_start3A_278 : memref<40x128xi32, #tpu.memory_space<hbm>>) target(%arg15 : memref<40x128xi32, #tpu.memory_space<vmem>>) target_semaphore(%run_scoped3A : memref<!tpu.dma_semaphore, #tpu.memory_space<semaphore_mem>>)
          %dma_wait3A_279 = arith.constant 0 : i32
          %dma_wait3A_280 = tpu.memref_slice %arg5[%arg1, %mul3A_238, %dma_wait3A_279] : memref<16x160x128xi32, #tpu.memory_space<hbm>> -> memref<1x40x128xi32, #tpu.memory_space<hbm>>
          %dma_wait3A_281 = tpu.memref_squeeze %dma_wait3A_280 : memref<1x40x128xi32, #tpu.memory_space<hbm>> -> memref<40x128xi32, #tpu.memory_space<hbm>>
          %dma_wait3A_282 = arith.constant 0 : i32
          %dma_wait3A_283 = tpu.memref_slice %arg5[%arg1, %mul3A_238, %dma_wait3A_282] : memref<16x160x128xi32, #tpu.memory_space<hbm>> -> memref<1x40x128xi32, #tpu.memory_space<hbm>>
          %dma_wait3A_284 = tpu.memref_squeeze %dma_wait3A_283 : memref<1x40x128xi32, #tpu.memory_space<hbm>> -> memref<40x128xi32, #tpu.memory_space<hbm>>
          tpu.wait_dma2 semaphore(%run_scoped3A : memref<!tpu.dma_semaphore, #tpu.memory_space<semaphore_mem>>) src(%dma_wait3A_284 : memref<40x128xi32, #tpu.memory_space<hbm>>) dst(%arg15 : memref<40x128xi32, #tpu.memory_space<vmem>>)
          tpu.yield
        }) : () -> ()
        %scan3A_239 = arith.constant 0 : i32
        %scan3A_240 = arith.constant 0 : i32
        %scan3A_241 = arith.constant 20 : i32
        %scan3A_242 = arith.addi %scan3A_240, %scan3A_241 : i32
        %scan3A_243 = arith.constant 1 : i32
        %scan3A_244 = scf.for %scan3A_273 = %scan3A_240 to %scan3A_242 step %scan3A_243 iter_args(%scan3A_274 = %scan3A_239) -> (i32)  : i32 {
          %mul3A_275 = arith.constant 2 : i32
          %mul3A_276 = arith.muli %mul3A_275, %scan3A_273 : i32
          %gt3A = arith.constant 0 : i32
          %gt3A_277 = arith.cmpi sgt, %scan3A_273, %gt3A : i32
          %convert_element_type3A_278 = arith.extui %gt3A_277 : i1 to i32
          %cond3A_279 = arith.constant 0 : i32
          %cond3A_280 = arith.cmpi ne, %convert_element_type3A_278, %cond3A_279 : i32
          scf.if %cond3A_280 {
            %sub3A = arith.constant 2 : i32
            %sub3A_346 = arith.subi %mul3A_276, %sub3A : i32
            %dma_wait3A_347 = arith.constant 0 : i32
            %dma_wait3A_348 = tpu.memref_slice %arg15[%sub3A_346, %dma_wait3A_347] : memref<40x128xi32, #tpu.memory_space<vmem>> -> memref<1x128xi32, #tpu.memory_space<vmem>>
            %dma_wait3A_349 = tpu.memref_squeeze %dma_wait3A_348 : memref<1x128xi32, #tpu.memory_space<vmem>> -> memref<128xi32, #tpu.memory_space<vmem>>
            %dma_wait3A_350 = arith.constant 0 : i32
            %dma_wait3A_351 = arith.constant 0 : i32
            %dma_wait3A_352 = tpu.memref_slice %arg12[%dma_wait3A_350, %dma_wait3A_351] : memref<10240x128xf32, #tpu.memory_space<vmem_shared>> -> memref<10240x128xf32, #tpu.memory_space<vmem_shared>>
            tpu.wait_indirect_dma semaphore(%arg21 : memref<!tpu.dma_semaphore, #tpu.memory_space<semaphore_mem>>) src(%arg16 : memref<128x128xf32, #tpu.memory_space<vmem>>) dst(%dma_wait3A_352 : memref<10240x128xf32, #tpu.memory_space<vmem_shared>>)
          } else {
          }
          %dma_start3A_281 = arith.constant 0 : i32
          %dma_start3A_282 = tpu.memref_slice %arg14[%mul3A_276, %dma_start3A_281] : memref<40x128xi32, #tpu.memory_space<vmem>> -> memref<1x128xi32, #tpu.memory_space<vmem>>
          %dma_start3A_283 = tpu.memref_squeeze %dma_start3A_282 : memref<1x128xi32, #tpu.memory_space<vmem>> -> memref<128xi32, #tpu.memory_space<vmem>>
          %dma_start3A_284 = arith.constant 0 : i32
          %dma_start3A_285 = arith.constant 0 : i32
          %dma_start3A_286 = tpu.memref_slice %arg2[%dma_start3A_284, %dma_start3A_285] : memref<10000x128xf32, #tpu.memory_space<hbm>> -> memref<10000x128xf32, #tpu.memory_space<hbm>>
          tpu.enqueue_indirect_dma source(%dma_start3A_286 : memref<10000x128xf32, #tpu.memory_space<hbm>>) target(%arg16 : memref<128x128xf32, #tpu.memory_space<vmem>>) offsets(%dma_start3A_283 : memref<128xi32, #tpu.memory_space<vmem>>) semaphore(%arg19 : memref<!tpu.dma_semaphore, #tpu.memory_space<semaphore_mem>>)
          %gt3A_287 = arith.constant 0 : i32
          %gt3A_288 = arith.cmpi sgt, %scan3A_273, %gt3A_287 : i32
          %convert_element_type3A_289 = arith.extui %gt3A_288 : i1 to i32
          %cond3A_290 = arith.constant 0 : i32
          %cond3A_291 = arith.cmpi ne, %convert_element_type3A_289, %cond3A_290 : i32
          scf.if %cond3A_291 {
            %sub3A = arith.constant 1 : i32
            %sub3A_346 = arith.subi %mul3A_276, %sub3A : i32
            %dma_wait3A_347 = arith.constant 0 : i32
            %dma_wait3A_348 = tpu.memref_slice %arg15[%sub3A_346, %dma_wait3A_347] : memref<40x128xi32, #tpu.memory_space<vmem>> -> memref<1x128xi32, #tpu.memory_space<vmem>>
            %dma_wait3A_349 = tpu.memref_squeeze %dma_wait3A_348 : memref<1x128xi32, #tpu.memory_space<vmem>> -> memref<128xi32, #tpu.memory_space<vmem>>
            %dma_wait3A_350 = arith.constant 0 : i32
            %dma_wait3A_351 = arith.constant 0 : i32
            %dma_wait3A_352 = tpu.memref_slice %arg12[%dma_wait3A_350, %dma_wait3A_351] : memref<10240x128xf32, #tpu.memory_space<vmem_shared>> -> memref<10240x128xf32, #tpu.memory_space<vmem_shared>>
            tpu.wait_indirect_dma semaphore(%arg22 : memref<!tpu.dma_semaphore, #tpu.memory_space<semaphore_mem>>) src(%arg17 : memref<128x128xf32, #tpu.memory_space<vmem>>) dst(%dma_wait3A_352 : memref<10240x128xf32, #tpu.memory_space<vmem_shared>>)
          } else {
          }
          %add3A_292 = arith.constant 1 : i32
          %add3A_293 = arith.addi %mul3A_276, %add3A_292 : i32
          %dma_start3A_294 = arith.constant 0 : i32
          %dma_start3A_295 = tpu.memref_slice %arg14[%add3A_293, %dma_start3A_294] : memref<40x128xi32, #tpu.memory_space<vmem>> -> memref<1x128xi32, #tpu.memory_space<vmem>>
          %dma_start3A_296 = tpu.memref_squeeze %dma_start3A_295 : memref<1x128xi32, #tpu.memory_space<vmem>> -> memref<128xi32, #tpu.memory_space<vmem>>
          %dma_start3A_297 = arith.constant 0 : i32
          %dma_start3A_298 = arith.constant 0 : i32
          %dma_start3A_299 = tpu.memref_slice %arg2[%dma_start3A_297, %dma_start3A_298] : memref<10000x128xf32, #tpu.memory_space<hbm>> -> memref<10000x128xf32, #tpu.memory_space<hbm>>
          tpu.enqueue_indirect_dma source(%dma_start3A_299 : memref<10000x128xf32, #tpu.memory_space<hbm>>) target(%arg17 : memref<128x128xf32, #tpu.memory_space<vmem>>) offsets(%dma_start3A_296 : memref<128xi32, #tpu.memory_space<vmem>>) semaphore(%arg20 : memref<!tpu.dma_semaphore, #tpu.memory_space<semaphore_mem>>)
          %dma_wait3A_300 = arith.constant 0 : i32
          %dma_wait3A_301 = tpu.memref_slice %arg14[%mul3A_276, %dma_wait3A_300] : memref<40x128xi32, #tpu.memory_space<vmem>> -> memref<1x128xi32, #tpu.memory_space<vmem>>
          %dma_wait3A_302 = tpu.memref_squeeze %dma_wait3A_301 : memref<1x128xi32, #tpu.memory_space<vmem>> -> memref<128xi32, #tpu.memory_space<vmem>>
          %dma_wait3A_303 = arith.constant 0 : i32
          %dma_wait3A_304 = arith.constant 0 : i32
          %dma_wait3A_305 = tpu.memref_slice %arg2[%dma_wait3A_303, %dma_wait3A_304] : memref<10000x128xf32, #tpu.memory_space<hbm>> -> memref<10000x128xf32, #tpu.memory_space<hbm>>
          tpu.wait_indirect_dma semaphore(%arg19 : memref<!tpu.dma_semaphore, #tpu.memory_space<semaphore_mem>>) src(%dma_wait3A_305 : memref<10000x128xf32, #tpu.memory_space<hbm>>) dst(%arg16 : memref<128x128xf32, #tpu.memory_space<vmem>>)
          %dma_start3A_306 = arith.constant 0 : i32
          %dma_start3A_307 = tpu.memref_slice %arg15[%mul3A_276, %dma_start3A_306] : memref<40x128xi32, #tpu.memory_space<vmem>> -> memref<1x128xi32, #tpu.memory_space<vmem>>
          %dma_start3A_308 = tpu.memref_squeeze %dma_start3A_307 : memref<1x128xi32, #tpu.memory_space<vmem>> -> memref<128xi32, #tpu.memory_space<vmem>>
          %dma_start3A_309 = arith.constant 0 : i32
          %dma_start3A_310 = arith.constant 0 : i32
          %dma_start3A_311 = tpu.memref_slice %arg12[%dma_start3A_309, %dma_start3A_310] : memref<10240x128xf32, #tpu.memory_space<vmem_shared>> -> memref<10240x128xf32, #tpu.memory_space<vmem_shared>>
          tpu.enqueue_indirect_dma source(%arg16 : memref<128x128xf32, #tpu.memory_space<vmem>>) target(%dma_start3A_311 : memref<10240x128xf32, #tpu.memory_space<vmem_shared>>) offsets(%dma_start3A_308 : memref<128xi32, #tpu.memory_space<vmem>>) semaphore(%arg21 : memref<!tpu.dma_semaphore, #tpu.memory_space<semaphore_mem>>) {add = true}
          %dma_start3A_312 = arith.constant 0 : i32
          %dma_start3A_313 = tpu.memref_slice %arg15[%mul3A_276, %dma_start3A_312] : memref<40x128xi32, #tpu.memory_space<vmem>> -> memref<1x128xi32, #tpu.memory_space<vmem>>
          %dma_start3A_314 = tpu.memref_squeeze %dma_start3A_313 : memref<1x128xi32, #tpu.memory_space<vmem>> -> memref<128xi32, #tpu.memory_space<vmem>>
          %dma_start3A_315 = arith.constant 0 : i32
          %dma_start3A_316 = tpu.memref_slice %arg13[%dma_start3A_315] : memref<10240xf32, #tpu.memory_space<vmem_shared>> -> memref<10240xf32, #tpu.memory_space<vmem_shared>>
          tpu.enqueue_indirect_dma source(%arg18 : memref<128xf32, #tpu.memory_space<vmem>>) target(%dma_start3A_316 : memref<10240xf32, #tpu.memory_space<vmem_shared>>) offsets(%dma_start3A_314 : memref<128xi32, #tpu.memory_space<vmem>>) semaphore(%arg23 : memref<!tpu.dma_semaphore, #tpu.memory_space<semaphore_mem>>) {add = true}
          %add3A_317 = arith.constant 1 : i32
          %add3A_318 = arith.addi %mul3A_276, %add3A_317 : i32
          %dma_wait3A_319 = arith.constant 0 : i32
          %dma_wait3A_320 = tpu.memref_slice %arg14[%add3A_318, %dma_wait3A_319] : memref<40x128xi32, #tpu.memory_space<vmem>> -> memref<1x128xi32, #tpu.memory_space<vmem>>
          %dma_wait3A_321 = tpu.memref_squeeze %dma_wait3A_320 : memref<1x128xi32, #tpu.memory_space<vmem>> -> memref<128xi32, #tpu.memory_space<vmem>>
          %dma_wait3A_322 = arith.constant 0 : i32
          %dma_wait3A_323 = arith.constant 0 : i32
          %dma_wait3A_324 = tpu.memref_slice %arg2[%dma_wait3A_322, %dma_wait3A_323] : memref<10000x128xf32, #tpu.memory_space<hbm>> -> memref<10000x128xf32, #tpu.memory_space<hbm>>
          tpu.wait_indirect_dma semaphore(%arg20 : memref<!tpu.dma_semaphore, #tpu.memory_space<semaphore_mem>>) src(%dma_wait3A_324 : memref<10000x128xf32, #tpu.memory_space<hbm>>) dst(%arg17 : memref<128x128xf32, #tpu.memory_space<vmem>>)
          %add3A_325 = arith.constant 1 : i32
          %add3A_326 = arith.addi %mul3A_276, %add3A_325 : i32
          %dma_start3A_327 = arith.constant 0 : i32
          %dma_start3A_328 = tpu.memref_slice %arg15[%add3A_326, %dma_start3A_327] : memref<40x128xi32, #tpu.memory_space<vmem>> -> memref<1x128xi32, #tpu.memory_space<vmem>>
          %dma_start3A_329 = tpu.memref_squeeze %dma_start3A_328 : memref<1x128xi32, #tpu.memory_space<vmem>> -> memref<128xi32, #tpu.memory_space<vmem>>
          %dma_start3A_330 = arith.constant 0 : i32
          %dma_start3A_331 = arith.constant 0 : i32
          %dma_start3A_332 = tpu.memref_slice %arg12[%dma_start3A_330, %dma_start3A_331] : memref<10240x128xf32, #tpu.memory_space<vmem_shared>> -> memref<10240x128xf32, #tpu.memory_space<vmem_shared>>
          tpu.enqueue_indirect_dma source(%arg17 : memref<128x128xf32, #tpu.memory_space<vmem>>) target(%dma_start3A_332 : memref<10240x128xf32, #tpu.memory_space<vmem_shared>>) offsets(%dma_start3A_329 : memref<128xi32, #tpu.memory_space<vmem>>) semaphore(%arg22 : memref<!tpu.dma_semaphore, #tpu.memory_space<semaphore_mem>>) {add = true}
          %add3A_333 = arith.constant 1 : i32
          %add3A_334 = arith.addi %mul3A_276, %add3A_333 : i32
          %dma_start3A_335 = arith.constant 0 : i32
          %dma_start3A_336 = tpu.memref_slice %arg15[%add3A_334, %dma_start3A_335] : memref<40x128xi32, #tpu.memory_space<vmem>> -> memref<1x128xi32, #tpu.memory_space<vmem>>
          %dma_start3A_337 = tpu.memref_squeeze %dma_start3A_336 : memref<1x128xi32, #tpu.memory_space<vmem>> -> memref<128xi32, #tpu.memory_space<vmem>>
          %dma_start3A_338 = arith.constant 0 : i32
          %dma_start3A_339 = tpu.memref_slice %arg13[%dma_start3A_338] : memref<10240xf32, #tpu.memory_space<vmem_shared>> -> memref<10240xf32, #tpu.memory_space<vmem_shared>>
          tpu.enqueue_indirect_dma source(%arg18 : memref<128xf32, #tpu.memory_space<vmem>>) target(%dma_start3A_339 : memref<10240xf32, #tpu.memory_space<vmem_shared>>) offsets(%dma_start3A_337 : memref<128xi32, #tpu.memory_space<vmem>>) semaphore(%arg23 : memref<!tpu.dma_semaphore, #tpu.memory_space<semaphore_mem>>) {add = true}
          %gt3A_340 = arith.constant 0 : i32
          %gt3A_341 = arith.cmpi sgt, %scan3A_273, %gt3A_340 : i32
          %convert_element_type3A_342 = arith.extui %gt3A_341 : i1 to i32
          %cond3A_343 = arith.constant 0 : i32
          %cond3A_344 = arith.cmpi ne, %convert_element_type3A_342, %cond3A_343 : i32
          scf.if %cond3A_344 {
            %sub3A = arith.constant 2 : i32
            %sub3A_346 = arith.subi %mul3A_276, %sub3A : i32
            %dma_wait3A_347 = arith.constant 0 : i32
            %dma_wait3A_348 = tpu.memref_slice %arg15[%sub3A_346, %dma_wait3A_347] : memref<40x128xi32, #tpu.memory_space<vmem>> -> memref<1x128xi32, #tpu.memory_space<vmem>>
            %dma_wait3A_349 = tpu.memref_squeeze %dma_wait3A_348 : memref<1x128xi32, #tpu.memory_space<vmem>> -> memref<128xi32, #tpu.memory_space<vmem>>
            %dma_wait3A_350 = arith.constant 0 : i32
            %dma_wait3A_351 = tpu.memref_slice %arg13[%dma_wait3A_350] : memref<10240xf32, #tpu.memory_space<vmem_shared>> -> memref<10240xf32, #tpu.memory_space<vmem_shared>>
            tpu.wait_indirect_dma semaphore(%arg23 : memref<!tpu.dma_semaphore, #tpu.memory_space<semaphore_mem>>) src(%arg18 : memref<128xf32, #tpu.memory_space<vmem>>) dst(%dma_wait3A_351 : memref<10240xf32, #tpu.memory_space<vmem_shared>>)
            %sub3A_352 = arith.constant 1 : i32
            %sub3A_353 = arith.subi %mul3A_276, %sub3A_352 : i32
            %dma_wait3A_354 = arith.constant 0 : i32
            %dma_wait3A_355 = tpu.memref_slice %arg15[%sub3A_353, %dma_wait3A_354] : memref<40x128xi32, #tpu.memory_space<vmem>> -> memref<1x128xi32, #tpu.memory_space<vmem>>
            %dma_wait3A_356 = tpu.memref_squeeze %dma_wait3A_355 : memref<1x128xi32, #tpu.memory_space<vmem>> -> memref<128xi32, #tpu.memory_space<vmem>>
            %dma_wait3A_357 = arith.constant 0 : i32
            %dma_wait3A_358 = tpu.memref_slice %arg13[%dma_wait3A_357] : memref<10240xf32, #tpu.memory_space<vmem_shared>> -> memref<10240xf32, #tpu.memory_space<vmem_shared>>
            tpu.wait_indirect_dma semaphore(%arg23 : memref<!tpu.dma_semaphore, #tpu.memory_space<semaphore_mem>>) src(%arg18 : memref<128xf32, #tpu.memory_space<vmem>>) dst(%dma_wait3A_358 : memref<10240xf32, #tpu.memory_space<vmem_shared>>)
          } else {
          }
          %scan3A_345 = arith.constant 0 : i32
          scf.yield %scan3A_345 : i32
        }
        %scan3A_245 = arith.constant 20 : i32
        %dma_wait3A_246 = arith.constant 38 : i32
        %dma_wait3A_247 = arith.constant 0 : i32
        %dma_wait3A_248 = tpu.memref_slice %arg15[%dma_wait3A_246, %dma_wait3A_247] : memref<40x128xi32, #tpu.memory_space<vmem>> -> memref<1x128xi32, #tpu.memory_space<vmem>>
        %dma_wait3A_249 = tpu.memref_squeeze %dma_wait3A_248 : memref<1x128xi32, #tpu.memory_space<vmem>> -> memref<128xi32, #tpu.memory_space<vmem>>
        %dma_wait3A_250 = arith.constant 0 : i32
        %dma_wait3A_251 = arith.constant 0 : i32
        %dma_wait3A_252 = tpu.memref_slice %arg12[%dma_wait3A_250, %dma_wait3A_251] : memref<10240x128xf32, #tpu.memory_space<vmem_shared>> -> memref<10240x128xf32, #tpu.memory_space<vmem_shared>>
        tpu.wait_indirect_dma semaphore(%arg21 : memref<!tpu.dma_semaphore, #tpu.memory_space<semaphore_mem>>) src(%arg16 : memref<128x128xf32, #tpu.memory_space<vmem>>) dst(%dma_wait3A_252 : memref<10240x128xf32, #tpu.memory_space<vmem_shared>>)
        %dma_wait3A_253 = arith.constant 39 : i32
        %dma_wait3A_254 = arith.constant 0 : i32
        %dma_wait3A_255 = tpu.memref_slice %arg15[%dma_wait3A_253, %dma_wait3A_254] : memref<40x128xi32, #tpu.memory_space<vmem>> -> memref<1x128xi32, #tpu.memory_space<vmem>>
        %dma_wait3A_256 = tpu.memref_squeeze %dma_wait3A_255 : memref<1x128xi32, #tpu.memory_space<vmem>> -> memref<128xi32, #tpu.memory_space<vmem>>
        %dma_wait3A_257 = arith.constant 0 : i32
        %dma_wait3A_258 = arith.constant 0 : i32
        %dma_wait3A_259 = tpu.memref_slice %arg12[%dma_wait3A_257, %dma_wait3A_258] : memref<10240x128xf32, #tpu.memory_space<vmem_shared>> -> memref<10240x128xf32, #tpu.memory_space<vmem_shared>>
        tpu.wait_indirect_dma semaphore(%arg22 : memref<!tpu.dma_semaphore, #tpu.memory_space<semaphore_mem>>) src(%arg17 : memref<128x128xf32, #tpu.memory_space<vmem>>) dst(%dma_wait3A_259 : memref<10240x128xf32, #tpu.memory_space<vmem_shared>>)
        %dma_wait3A_260 = arith.constant 38 : i32
        %dma_wait3A_261 = arith.constant 0 : i32
        %dma_wait3A_262 = tpu.memref_slice %arg15[%dma_wait3A_260, %dma_wait3A_261] : memref<40x128xi32, #tpu.memory_space<vmem>> -> memref<1x128xi32, #tpu.memory_space<vmem>>
        %dma_wait3A_263 = tpu.memref_squeeze %dma_wait3A_262 : memref<1x128xi32, #tpu.memory_space<vmem>> -> memref<128xi32, #tpu.memory_space<vmem>>
        %dma_wait3A_264 = arith.constant 0 : i32
        %dma_wait3A_265 = tpu.memref_slice %arg13[%dma_wait3A_264] : memref<10240xf32, #tpu.memory_space<vmem_shared>> -> memref<10240xf32, #tpu.memory_space<vmem_shared>>
        tpu.wait_indirect_dma semaphore(%arg23 : memref<!tpu.dma_semaphore, #tpu.memory_space<semaphore_mem>>) src(%arg18 : memref<128xf32, #tpu.memory_space<vmem>>) dst(%dma_wait3A_265 : memref<10240xf32, #tpu.memory_space<vmem_shared>>)
        %dma_wait3A_266 = arith.constant 39 : i32
        %dma_wait3A_267 = arith.constant 0 : i32
        %dma_wait3A_268 = tpu.memref_slice %arg15[%dma_wait3A_266, %dma_wait3A_267] : memref<40x128xi32, #tpu.memory_space<vmem>> -> memref<1x128xi32, #tpu.memory_space<vmem>>
        %dma_wait3A_269 = tpu.memref_squeeze %dma_wait3A_268 : memref<1x128xi32, #tpu.memory_space<vmem>> -> memref<128xi32, #tpu.memory_space<vmem>>
        %dma_wait3A_270 = arith.constant 0 : i32
        %dma_wait3A_271 = tpu.memref_slice %arg13[%dma_wait3A_270] : memref<10240xf32, #tpu.memory_space<vmem_shared>> -> memref<10240xf32, #tpu.memory_space<vmem_shared>>
        tpu.wait_indirect_dma semaphore(%arg23 : memref<!tpu.dma_semaphore, #tpu.memory_space<semaphore_mem>>) src(%arg18 : memref<128xf32, #tpu.memory_space<vmem>>) dst(%dma_wait3A_271 : memref<10240xf32, #tpu.memory_space<vmem_shared>>)
        %scan3A_272 = arith.constant 0 : i32
        scf.yield %scan3A_272 : i32
      }
      %scan3A_232 = arith.constant 4 : i32
    } else {
    }
    %eq3A_210 = arith.constant 1 : i32
    %eq3A_211 = arith.cmpi eq, %arg0, %eq3A_210 : i32
    %convert_element_type3A_212 = arith.extui %eq3A_211 : i1 to i32
    %cond3A_213 = arith.constant 0 : i32
    %cond3A_214 = arith.cmpi ne, %convert_element_type3A_212, %cond3A_213 : i32
    scf.if %cond3A_214 {
      %scan3A_226 = arith.constant 0 : i32
      %scan3A_227 = arith.constant 0 : i32
      %scan3A_228 = arith.constant 4 : i32
      %scan3A_229 = arith.addi %scan3A_227, %scan3A_228 : i32
      %scan3A_230 = arith.constant 1 : i32
      %scan3A_231 = scf.for %scan3A_233 = %scan3A_227 to %scan3A_229 step %scan3A_230 iter_args(%scan3A_234 = %scan3A_226) -> (i32)  : i32 {
        %mul3A_235 = arith.constant 40 : i32
        %mul3A_236 = arith.muli %scan3A_233, %mul3A_235 : i32
        "tpu.region"() ({
          %run_scoped3A = tpu.sem_alloc : memref<!tpu.dma_semaphore, #tpu.memory_space<semaphore_mem>>
          %dma_start3A_273 = arith.constant 0 : i32
          %dma_start3A_274 = tpu.memref_slice %arg6[%arg1, %mul3A_236, %dma_start3A_273] : memref<16x160x128xi32, #tpu.memory_space<hbm>> -> memref<1x40x128xi32, #tpu.memory_space<hbm>>
          %dma_start3A_275 = tpu.memref_squeeze %dma_start3A_274 : memref<1x40x128xi32, #tpu.memory_space<hbm>> -> memref<40x128xi32, #tpu.memory_space<hbm>>
          %dma_start3A_276 = arith.constant 0 : i32
          %dma_start3A_277 = tpu.memref_slice %arg6[%arg1, %mul3A_236, %dma_start3A_276] : memref<16x160x128xi32, #tpu.memory_space<hbm>> -> memref<1x40x128xi32, #tpu.memory_space<hbm>>
          %dma_start3A_278 = tpu.memref_squeeze %dma_start3A_277 : memref<1x40x128xi32, #tpu.memory_space<hbm>> -> memref<40x128xi32, #tpu.memory_space<hbm>>
          tpu.enqueue_dma source(%dma_start3A_278 : memref<40x128xi32, #tpu.memory_space<hbm>>) target(%arg14 : memref<40x128xi32, #tpu.memory_space<vmem>>) target_semaphore(%run_scoped3A : memref<!tpu.dma_semaphore, #tpu.memory_space<semaphore_mem>>)
          %dma_wait3A_279 = arith.constant 0 : i32
          %dma_wait3A_280 = tpu.memref_slice %arg6[%arg1, %mul3A_236, %dma_wait3A_279] : memref<16x160x128xi32, #tpu.memory_space<hbm>> -> memref<1x40x128xi32, #tpu.memory_space<hbm>>
          %dma_wait3A_281 = tpu.memref_squeeze %dma_wait3A_280 : memref<1x40x128xi32, #tpu.memory_space<hbm>> -> memref<40x128xi32, #tpu.memory_space<hbm>>
          %dma_wait3A_282 = arith.constant 0 : i32
          %dma_wait3A_283 = tpu.memref_slice %arg6[%arg1, %mul3A_236, %dma_wait3A_282] : memref<16x160x128xi32, #tpu.memory_space<hbm>> -> memref<1x40x128xi32, #tpu.memory_space<hbm>>
          %dma_wait3A_284 = tpu.memref_squeeze %dma_wait3A_283 : memref<1x40x128xi32, #tpu.memory_space<hbm>> -> memref<40x128xi32, #tpu.memory_space<hbm>>
          tpu.wait_dma2 semaphore(%run_scoped3A : memref<!tpu.dma_semaphore, #tpu.memory_space<semaphore_mem>>) src(%dma_wait3A_284 : memref<40x128xi32, #tpu.memory_space<hbm>>) dst(%arg14 : memref<40x128xi32, #tpu.memory_space<vmem>>)
          tpu.yield
        }) : () -> ()
        %mul3A_237 = arith.constant 40 : i32
        %mul3A_238 = arith.muli %scan3A_233, %mul3A_237 : i32
        "tpu.region"() ({
          %run_scoped3A = tpu.sem_alloc : memref<!tpu.dma_semaphore, #tpu.memory_space<semaphore_mem>>
          %dma_start3A_273 = arith.constant 0 : i32
          %dma_start3A_274 = tpu.memref_slice %arg7[%arg1, %mul3A_238, %dma_start3A_273] : memref<16x160x128xi32, #tpu.memory_space<hbm>> -> memref<1x40x128xi32, #tpu.memory_space<hbm>>
          %dma_start3A_275 = tpu.memref_squeeze %dma_start3A_274 : memref<1x40x128xi32, #tpu.memory_space<hbm>> -> memref<40x128xi32, #tpu.memory_space<hbm>>
          %dma_start3A_276 = arith.constant 0 : i32
          %dma_start3A_277 = tpu.memref_slice %arg7[%arg1, %mul3A_238, %dma_start3A_276] : memref<16x160x128xi32, #tpu.memory_space<hbm>> -> memref<1x40x128xi32, #tpu.memory_space<hbm>>
          %dma_start3A_278 = tpu.memref_squeeze %dma_start3A_277 : memref<1x40x128xi32, #tpu.memory_space<hbm>> -> memref<40x128xi32, #tpu.memory_space<hbm>>
          tpu.enqueue_dma source(%dma_start3A_278 : memref<40x128xi32, #tpu.memory_space<hbm>>) target(%arg15 : memref<40x128xi32, #tpu.memory_space<vmem>>) target_semaphore(%run_scoped3A : memref<!tpu.dma_semaphore, #tpu.memory_space<semaphore_mem>>)
          %dma_wait3A_279 = arith.constant 0 : i32
          %dma_wait3A_280 = tpu.memref_slice %arg7[%arg1, %mul3A_238, %dma_wait3A_279] : memref<16x160x128xi32, #tpu.memory_space<hbm>> -> memref<1x40x128xi32, #tpu.memory_space<hbm>>
          %dma_wait3A_281 = tpu.memref_squeeze %dma_wait3A_280 : memref<1x40x128xi32, #tpu.memory_space<hbm>> -> memref<40x128xi32, #tpu.memory_space<hbm>>
          %dma_wait3A_282 = arith.constant 0 : i32
          %dma_wait3A_283 = tpu.memref_slice %arg7[%arg1, %mul3A_238, %dma_wait3A_282] : memref<16x160x128xi32, #tpu.memory_space<hbm>> -> memref<1x40x128xi32, #tpu.memory_space<hbm>>
          %dma_wait3A_284 = tpu.memref_squeeze %dma_wait3A_283 : memref<1x40x128xi32, #tpu.memory_space<hbm>> -> memref<40x128xi32, #tpu.memory_space<hbm>>
          tpu.wait_dma2 semaphore(%run_scoped3A : memref<!tpu.dma_semaphore, #tpu.memory_space<semaphore_mem>>) src(%dma_wait3A_284 : memref<40x128xi32, #tpu.memory_space<hbm>>) dst(%arg15 : memref<40x128xi32, #tpu.memory_space<vmem>>)
          tpu.yield
        }) : () -> ()
        %scan3A_239 = arith.constant 0 : i32
        %scan3A_240 = arith.constant 0 : i32
        %scan3A_241 = arith.constant 20 : i32
        %scan3A_242 = arith.addi %scan3A_240, %scan3A_241 : i32
        %scan3A_243 = arith.constant 1 : i32
        %scan3A_244 = scf.for %scan3A_273 = %scan3A_240 to %scan3A_242 step %scan3A_243 iter_args(%scan3A_274 = %scan3A_239) -> (i32)  : i32 {
          %mul3A_275 = arith.constant 2 : i32
          %mul3A_276 = arith.muli %mul3A_275, %scan3A_273 : i32
          %gt3A = arith.constant 0 : i32
          %gt3A_277 = arith.cmpi sgt, %scan3A_273, %gt3A : i32
          %convert_element_type3A_278 = arith.extui %gt3A_277 : i1 to i32
          %cond3A_279 = arith.constant 0 : i32
          %cond3A_280 = arith.cmpi ne, %convert_element_type3A_278, %cond3A_279 : i32
          scf.if %cond3A_280 {
            %sub3A = arith.constant 2 : i32
            %sub3A_346 = arith.subi %mul3A_276, %sub3A : i32
            %dma_wait3A_347 = arith.constant 0 : i32
            %dma_wait3A_348 = tpu.memref_slice %arg15[%sub3A_346, %dma_wait3A_347] : memref<40x128xi32, #tpu.memory_space<vmem>> -> memref<1x128xi32, #tpu.memory_space<vmem>>
            %dma_wait3A_349 = tpu.memref_squeeze %dma_wait3A_348 : memref<1x128xi32, #tpu.memory_space<vmem>> -> memref<128xi32, #tpu.memory_space<vmem>>
            %dma_wait3A_350 = arith.constant 0 : i32
            %dma_wait3A_351 = arith.constant 0 : i32
            %dma_wait3A_352 = tpu.memref_slice %arg12[%dma_wait3A_350, %dma_wait3A_351] : memref<10240x128xf32, #tpu.memory_space<vmem_shared>> -> memref<10240x128xf32, #tpu.memory_space<vmem_shared>>
            tpu.wait_indirect_dma semaphore(%arg21 : memref<!tpu.dma_semaphore, #tpu.memory_space<semaphore_mem>>) src(%arg16 : memref<128x128xf32, #tpu.memory_space<vmem>>) dst(%dma_wait3A_352 : memref<10240x128xf32, #tpu.memory_space<vmem_shared>>)
          } else {
          }
          %dma_start3A_281 = arith.constant 0 : i32
          %dma_start3A_282 = tpu.memref_slice %arg14[%mul3A_276, %dma_start3A_281] : memref<40x128xi32, #tpu.memory_space<vmem>> -> memref<1x128xi32, #tpu.memory_space<vmem>>
          %dma_start3A_283 = tpu.memref_squeeze %dma_start3A_282 : memref<1x128xi32, #tpu.memory_space<vmem>> -> memref<128xi32, #tpu.memory_space<vmem>>
          %dma_start3A_284 = arith.constant 0 : i32
          %dma_start3A_285 = arith.constant 0 : i32
          %dma_start3A_286 = tpu.memref_slice %arg3[%dma_start3A_284, %dma_start3A_285] : memref<10000x128xf32, #tpu.memory_space<hbm>> -> memref<10000x128xf32, #tpu.memory_space<hbm>>
          tpu.enqueue_indirect_dma source(%dma_start3A_286 : memref<10000x128xf32, #tpu.memory_space<hbm>>) target(%arg16 : memref<128x128xf32, #tpu.memory_space<vmem>>) offsets(%dma_start3A_283 : memref<128xi32, #tpu.memory_space<vmem>>) semaphore(%arg19 : memref<!tpu.dma_semaphore, #tpu.memory_space<semaphore_mem>>)
          %gt3A_287 = arith.constant 0 : i32
          %gt3A_288 = arith.cmpi sgt, %scan3A_273, %gt3A_287 : i32
          %convert_element_type3A_289 = arith.extui %gt3A_288 : i1 to i32
          %cond3A_290 = arith.constant 0 : i32
          %cond3A_291 = arith.cmpi ne, %convert_element_type3A_289, %cond3A_290 : i32
          scf.if %cond3A_291 {
            %sub3A = arith.constant 1 : i32
            %sub3A_346 = arith.subi %mul3A_276, %sub3A : i32
            %dma_wait3A_347 = arith.constant 0 : i32
            %dma_wait3A_348 = tpu.memref_slice %arg15[%sub3A_346, %dma_wait3A_347] : memref<40x128xi32, #tpu.memory_space<vmem>> -> memref<1x128xi32, #tpu.memory_space<vmem>>
            %dma_wait3A_349 = tpu.memref_squeeze %dma_wait3A_348 : memref<1x128xi32, #tpu.memory_space<vmem>> -> memref<128xi32, #tpu.memory_space<vmem>>
            %dma_wait3A_350 = arith.constant 0 : i32
            %dma_wait3A_351 = arith.constant 0 : i32
            %dma_wait3A_352 = tpu.memref_slice %arg12[%dma_wait3A_350, %dma_wait3A_351] : memref<10240x128xf32, #tpu.memory_space<vmem_shared>> -> memref<10240x128xf32, #tpu.memory_space<vmem_shared>>
            tpu.wait_indirect_dma semaphore(%arg22 : memref<!tpu.dma_semaphore, #tpu.memory_space<semaphore_mem>>) src(%arg17 : memref<128x128xf32, #tpu.memory_space<vmem>>) dst(%dma_wait3A_352 : memref<10240x128xf32, #tpu.memory_space<vmem_shared>>)
          } else {
          }
          %add3A_292 = arith.constant 1 : i32
          %add3A_293 = arith.addi %mul3A_276, %add3A_292 : i32
          %dma_start3A_294 = arith.constant 0 : i32
          %dma_start3A_295 = tpu.memref_slice %arg14[%add3A_293, %dma_start3A_294] : memref<40x128xi32, #tpu.memory_space<vmem>> -> memref<1x128xi32, #tpu.memory_space<vmem>>
          %dma_start3A_296 = tpu.memref_squeeze %dma_start3A_295 : memref<1x128xi32, #tpu.memory_space<vmem>> -> memref<128xi32, #tpu.memory_space<vmem>>
          %dma_start3A_297 = arith.constant 0 : i32
          %dma_start3A_298 = arith.constant 0 : i32
          %dma_start3A_299 = tpu.memref_slice %arg3[%dma_start3A_297, %dma_start3A_298] : memref<10000x128xf32, #tpu.memory_space<hbm>> -> memref<10000x128xf32, #tpu.memory_space<hbm>>
          tpu.enqueue_indirect_dma source(%dma_start3A_299 : memref<10000x128xf32, #tpu.memory_space<hbm>>) target(%arg17 : memref<128x128xf32, #tpu.memory_space<vmem>>) offsets(%dma_start3A_296 : memref<128xi32, #tpu.memory_space<vmem>>) semaphore(%arg20 : memref<!tpu.dma_semaphore, #tpu.memory_space<semaphore_mem>>)
          %dma_wait3A_300 = arith.constant 0 : i32
          %dma_wait3A_301 = tpu.memref_slice %arg14[%mul3A_276, %dma_wait3A_300] : memref<40x128xi32, #tpu.memory_space<vmem>> -> memref<1x128xi32, #tpu.memory_space<vmem>>
          %dma_wait3A_302 = tpu.memref_squeeze %dma_wait3A_301 : memref<1x128xi32, #tpu.memory_space<vmem>> -> memref<128xi32, #tpu.memory_space<vmem>>
          %dma_wait3A_303 = arith.constant 0 : i32
          %dma_wait3A_304 = arith.constant 0 : i32
          %dma_wait3A_305 = tpu.memref_slice %arg3[%dma_wait3A_303, %dma_wait3A_304] : memref<10000x128xf32, #tpu.memory_space<hbm>> -> memref<10000x128xf32, #tpu.memory_space<hbm>>
          tpu.wait_indirect_dma semaphore(%arg19 : memref<!tpu.dma_semaphore, #tpu.memory_space<semaphore_mem>>) src(%dma_wait3A_305 : memref<10000x128xf32, #tpu.memory_space<hbm>>) dst(%arg16 : memref<128x128xf32, #tpu.memory_space<vmem>>)
          %dma_start3A_306 = arith.constant 0 : i32
          %dma_start3A_307 = tpu.memref_slice %arg15[%mul3A_276, %dma_start3A_306] : memref<40x128xi32, #tpu.memory_space<vmem>> -> memref<1x128xi32, #tpu.memory_space<vmem>>
          %dma_start3A_308 = tpu.memref_squeeze %dma_start3A_307 : memref<1x128xi32, #tpu.memory_space<vmem>> -> memref<128xi32, #tpu.memory_space<vmem>>
          %dma_start3A_309 = arith.constant 0 : i32
          %dma_start3A_310 = arith.constant 0 : i32
          %dma_start3A_311 = tpu.memref_slice %arg12[%dma_start3A_309, %dma_start3A_310] : memref<10240x128xf32, #tpu.memory_space<vmem_shared>> -> memref<10240x128xf32, #tpu.memory_space<vmem_shared>>
          tpu.enqueue_indirect_dma source(%arg16 : memref<128x128xf32, #tpu.memory_space<vmem>>) target(%dma_start3A_311 : memref<10240x128xf32, #tpu.memory_space<vmem_shared>>) offsets(%dma_start3A_308 : memref<128xi32, #tpu.memory_space<vmem>>) semaphore(%arg21 : memref<!tpu.dma_semaphore, #tpu.memory_space<semaphore_mem>>) {add = true}
          %dma_start3A_312 = arith.constant 0 : i32
          %dma_start3A_313 = tpu.memref_slice %arg15[%mul3A_276, %dma_start3A_312] : memref<40x128xi32, #tpu.memory_space<vmem>> -> memref<1x128xi32, #tpu.memory_space<vmem>>
          %dma_start3A_314 = tpu.memref_squeeze %dma_start3A_313 : memref<1x128xi32, #tpu.memory_space<vmem>> -> memref<128xi32, #tpu.memory_space<vmem>>
          %dma_start3A_315 = arith.constant 0 : i32
          %dma_start3A_316 = tpu.memref_slice %arg13[%dma_start3A_315] : memref<10240xf32, #tpu.memory_space<vmem_shared>> -> memref<10240xf32, #tpu.memory_space<vmem_shared>>
          tpu.enqueue_indirect_dma source(%arg18 : memref<128xf32, #tpu.memory_space<vmem>>) target(%dma_start3A_316 : memref<10240xf32, #tpu.memory_space<vmem_shared>>) offsets(%dma_start3A_314 : memref<128xi32, #tpu.memory_space<vmem>>) semaphore(%arg23 : memref<!tpu.dma_semaphore, #tpu.memory_space<semaphore_mem>>) {add = true}
          %add3A_317 = arith.constant 1 : i32
          %add3A_318 = arith.addi %mul3A_276, %add3A_317 : i32
          %dma_wait3A_319 = arith.constant 0 : i32
          %dma_wait3A_320 = tpu.memref_slice %arg14[%add3A_318, %dma_wait3A_319] : memref<40x128xi32, #tpu.memory_space<vmem>> -> memref<1x128xi32, #tpu.memory_space<vmem>>
          %dma_wait3A_321 = tpu.memref_squeeze %dma_wait3A_320 : memref<1x128xi32, #tpu.memory_space<vmem>> -> memref<128xi32, #tpu.memory_space<vmem>>
          %dma_wait3A_322 = arith.constant 0 : i32
          %dma_wait3A_323 = arith.constant 0 : i32
          %dma_wait3A_324 = tpu.memref_slice %arg3[%dma_wait3A_322, %dma_wait3A_323] : memref<10000x128xf32, #tpu.memory_space<hbm>> -> memref<10000x128xf32, #tpu.memory_space<hbm>>
          tpu.wait_indirect_dma semaphore(%arg20 : memref<!tpu.dma_semaphore, #tpu.memory_space<semaphore_mem>>) src(%dma_wait3A_324 : memref<10000x128xf32, #tpu.memory_space<hbm>>) dst(%arg17 : memref<128x128xf32, #tpu.memory_space<vmem>>)
          %add3A_325 = arith.constant 1 : i32
          %add3A_326 = arith.addi %mul3A_276, %add3A_325 : i32
          %dma_start3A_327 = arith.constant 0 : i32
          %dma_start3A_328 = tpu.memref_slice %arg15[%add3A_326, %dma_start3A_327] : memref<40x128xi32, #tpu.memory_space<vmem>> -> memref<1x128xi32, #tpu.memory_space<vmem>>
          %dma_start3A_329 = tpu.memref_squeeze %dma_start3A_328 : memref<1x128xi32, #tpu.memory_space<vmem>> -> memref<128xi32, #tpu.memory_space<vmem>>
          %dma_start3A_330 = arith.constant 0 : i32
          %dma_start3A_331 = arith.constant 0 : i32
          %dma_start3A_332 = tpu.memref_slice %arg12[%dma_start3A_330, %dma_start3A_331] : memref<10240x128xf32, #tpu.memory_space<vmem_shared>> -> memref<10240x128xf32, #tpu.memory_space<vmem_shared>>
          tpu.enqueue_indirect_dma source(%arg17 : memref<128x128xf32, #tpu.memory_space<vmem>>) target(%dma_start3A_332 : memref<10240x128xf32, #tpu.memory_space<vmem_shared>>) offsets(%dma_start3A_329 : memref<128xi32, #tpu.memory_space<vmem>>) semaphore(%arg22 : memref<!tpu.dma_semaphore, #tpu.memory_space<semaphore_mem>>) {add = true}
          %add3A_333 = arith.constant 1 : i32
          %add3A_334 = arith.addi %mul3A_276, %add3A_333 : i32
          %dma_start3A_335 = arith.constant 0 : i32
          %dma_start3A_336 = tpu.memref_slice %arg15[%add3A_334, %dma_start3A_335] : memref<40x128xi32, #tpu.memory_space<vmem>> -> memref<1x128xi32, #tpu.memory_space<vmem>>
          %dma_start3A_337 = tpu.memref_squeeze %dma_start3A_336 : memref<1x128xi32, #tpu.memory_space<vmem>> -> memref<128xi32, #tpu.memory_space<vmem>>
          %dma_start3A_338 = arith.constant 0 : i32
          %dma_start3A_339 = tpu.memref_slice %arg13[%dma_start3A_338] : memref<10240xf32, #tpu.memory_space<vmem_shared>> -> memref<10240xf32, #tpu.memory_space<vmem_shared>>
          tpu.enqueue_indirect_dma source(%arg18 : memref<128xf32, #tpu.memory_space<vmem>>) target(%dma_start3A_339 : memref<10240xf32, #tpu.memory_space<vmem_shared>>) offsets(%dma_start3A_337 : memref<128xi32, #tpu.memory_space<vmem>>) semaphore(%arg23 : memref<!tpu.dma_semaphore, #tpu.memory_space<semaphore_mem>>) {add = true}
          %gt3A_340 = arith.constant 0 : i32
          %gt3A_341 = arith.cmpi sgt, %scan3A_273, %gt3A_340 : i32
          %convert_element_type3A_342 = arith.extui %gt3A_341 : i1 to i32
          %cond3A_343 = arith.constant 0 : i32
          %cond3A_344 = arith.cmpi ne, %convert_element_type3A_342, %cond3A_343 : i32
          scf.if %cond3A_344 {
            %sub3A = arith.constant 2 : i32
            %sub3A_346 = arith.subi %mul3A_276, %sub3A : i32
            %dma_wait3A_347 = arith.constant 0 : i32
            %dma_wait3A_348 = tpu.memref_slice %arg15[%sub3A_346, %dma_wait3A_347] : memref<40x128xi32, #tpu.memory_space<vmem>> -> memref<1x128xi32, #tpu.memory_space<vmem>>
            %dma_wait3A_349 = tpu.memref_squeeze %dma_wait3A_348 : memref<1x128xi32, #tpu.memory_space<vmem>> -> memref<128xi32, #tpu.memory_space<vmem>>
            %dma_wait3A_350 = arith.constant 0 : i32
            %dma_wait3A_351 = tpu.memref_slice %arg13[%dma_wait3A_350] : memref<10240xf32, #tpu.memory_space<vmem_shared>> -> memref<10240xf32, #tpu.memory_space<vmem_shared>>
            tpu.wait_indirect_dma semaphore(%arg23 : memref<!tpu.dma_semaphore, #tpu.memory_space<semaphore_mem>>) src(%arg18 : memref<128xf32, #tpu.memory_space<vmem>>) dst(%dma_wait3A_351 : memref<10240xf32, #tpu.memory_space<vmem_shared>>)
            %sub3A_352 = arith.constant 1 : i32
            %sub3A_353 = arith.subi %mul3A_276, %sub3A_352 : i32
            %dma_wait3A_354 = arith.constant 0 : i32
            %dma_wait3A_355 = tpu.memref_slice %arg15[%sub3A_353, %dma_wait3A_354] : memref<40x128xi32, #tpu.memory_space<vmem>> -> memref<1x128xi32, #tpu.memory_space<vmem>>
            %dma_wait3A_356 = tpu.memref_squeeze %dma_wait3A_355 : memref<1x128xi32, #tpu.memory_space<vmem>> -> memref<128xi32, #tpu.memory_space<vmem>>
            %dma_wait3A_357 = arith.constant 0 : i32
            %dma_wait3A_358 = tpu.memref_slice %arg13[%dma_wait3A_357] : memref<10240xf32, #tpu.memory_space<vmem_shared>> -> memref<10240xf32, #tpu.memory_space<vmem_shared>>
            tpu.wait_indirect_dma semaphore(%arg23 : memref<!tpu.dma_semaphore, #tpu.memory_space<semaphore_mem>>) src(%arg18 : memref<128xf32, #tpu.memory_space<vmem>>) dst(%dma_wait3A_358 : memref<10240xf32, #tpu.memory_space<vmem_shared>>)
          } else {
          }
          %scan3A_345 = arith.constant 0 : i32
          scf.yield %scan3A_345 : i32
        }
        %scan3A_245 = arith.constant 20 : i32
        %dma_wait3A_246 = arith.constant 38 : i32
        %dma_wait3A_247 = arith.constant 0 : i32
        %dma_wait3A_248 = tpu.memref_slice %arg15[%dma_wait3A_246, %dma_wait3A_247] : memref<40x128xi32, #tpu.memory_space<vmem>> -> memref<1x128xi32, #tpu.memory_space<vmem>>
        %dma_wait3A_249 = tpu.memref_squeeze %dma_wait3A_248 : memref<1x128xi32, #tpu.memory_space<vmem>> -> memref<128xi32, #tpu.memory_space<vmem>>
        %dma_wait3A_250 = arith.constant 0 : i32
        %dma_wait3A_251 = arith.constant 0 : i32
        %dma_wait3A_252 = tpu.memref_slice %arg12[%dma_wait3A_250, %dma_wait3A_251] : memref<10240x128xf32, #tpu.memory_space<vmem_shared>> -> memref<10240x128xf32, #tpu.memory_space<vmem_shared>>
        tpu.wait_indirect_dma semaphore(%arg21 : memref<!tpu.dma_semaphore, #tpu.memory_space<semaphore_mem>>) src(%arg16 : memref<128x128xf32, #tpu.memory_space<vmem>>) dst(%dma_wait3A_252 : memref<10240x128xf32, #tpu.memory_space<vmem_shared>>)
        %dma_wait3A_253 = arith.constant 39 : i32
        %dma_wait3A_254 = arith.constant 0 : i32
        %dma_wait3A_255 = tpu.memref_slice %arg15[%dma_wait3A_253, %dma_wait3A_254] : memref<40x128xi32, #tpu.memory_space<vmem>> -> memref<1x128xi32, #tpu.memory_space<vmem>>
        %dma_wait3A_256 = tpu.memref_squeeze %dma_wait3A_255 : memref<1x128xi32, #tpu.memory_space<vmem>> -> memref<128xi32, #tpu.memory_space<vmem>>
        %dma_wait3A_257 = arith.constant 0 : i32
        %dma_wait3A_258 = arith.constant 0 : i32
        %dma_wait3A_259 = tpu.memref_slice %arg12[%dma_wait3A_257, %dma_wait3A_258] : memref<10240x128xf32, #tpu.memory_space<vmem_shared>> -> memref<10240x128xf32, #tpu.memory_space<vmem_shared>>
        tpu.wait_indirect_dma semaphore(%arg22 : memref<!tpu.dma_semaphore, #tpu.memory_space<semaphore_mem>>) src(%arg17 : memref<128x128xf32, #tpu.memory_space<vmem>>) dst(%dma_wait3A_259 : memref<10240x128xf32, #tpu.memory_space<vmem_shared>>)
        %dma_wait3A_260 = arith.constant 38 : i32
        %dma_wait3A_261 = arith.constant 0 : i32
        %dma_wait3A_262 = tpu.memref_slice %arg15[%dma_wait3A_260, %dma_wait3A_261] : memref<40x128xi32, #tpu.memory_space<vmem>> -> memref<1x128xi32, #tpu.memory_space<vmem>>
        %dma_wait3A_263 = tpu.memref_squeeze %dma_wait3A_262 : memref<1x128xi32, #tpu.memory_space<vmem>> -> memref<128xi32, #tpu.memory_space<vmem>>
        %dma_wait3A_264 = arith.constant 0 : i32
        %dma_wait3A_265 = tpu.memref_slice %arg13[%dma_wait3A_264] : memref<10240xf32, #tpu.memory_space<vmem_shared>> -> memref<10240xf32, #tpu.memory_space<vmem_shared>>
        tpu.wait_indirect_dma semaphore(%arg23 : memref<!tpu.dma_semaphore, #tpu.memory_space<semaphore_mem>>) src(%arg18 : memref<128xf32, #tpu.memory_space<vmem>>) dst(%dma_wait3A_265 : memref<10240xf32, #tpu.memory_space<vmem_shared>>)
        %dma_wait3A_266 = arith.constant 39 : i32
        %dma_wait3A_267 = arith.constant 0 : i32
        %dma_wait3A_268 = tpu.memref_slice %arg15[%dma_wait3A_266, %dma_wait3A_267] : memref<40x128xi32, #tpu.memory_space<vmem>> -> memref<1x128xi32, #tpu.memory_space<vmem>>
        %dma_wait3A_269 = tpu.memref_squeeze %dma_wait3A_268 : memref<1x128xi32, #tpu.memory_space<vmem>> -> memref<128xi32, #tpu.memory_space<vmem>>
        %dma_wait3A_270 = arith.constant 0 : i32
        %dma_wait3A_271 = tpu.memref_slice %arg13[%dma_wait3A_270] : memref<10240xf32, #tpu.memory_space<vmem_shared>> -> memref<10240xf32, #tpu.memory_space<vmem_shared>>
        tpu.wait_indirect_dma semaphore(%arg23 : memref<!tpu.dma_semaphore, #tpu.memory_space<semaphore_mem>>) src(%arg18 : memref<128xf32, #tpu.memory_space<vmem>>) dst(%dma_wait3A_271 : memref<10240xf32, #tpu.memory_space<vmem_shared>>)
        %scan3A_272 = arith.constant 0 : i32
        scf.yield %scan3A_272 : i32
      }
      %scan3A_232 = arith.constant 4 : i32
    } else {
    }
    %barrier3A_215 = arith.constant 0 : index
    tpu.barrier barrier_id(%barrier3A_215)
    %eq3A_216 = arith.constant 0 : i32
    %eq3A_217 = arith.cmpi eq, %arg0, %eq3A_216 : i32
    %convert_element_type3A_218 = arith.extui %eq3A_217 : i1 to i32
    %cond3A_219 = arith.constant 0 : i32
    %cond3A_220 = arith.cmpi ne, %convert_element_type3A_218, %cond3A_219 : i32
    scf.if %cond3A_220 {
      %dma_start3A_226 = arith.constant 0 : i32
      %dma_start3A_227 = tpu.memref_slice %arg8[%mul3A_40, %dma_start3A_226] : memref<10240x128xf32, #tpu.memory_space<hbm>> -> memref<640x128xf32, #tpu.memory_space<hbm>>
      %dma_start3A_228 = arith.constant 0 : i32
      %dma_start3A_229 = tpu.memref_slice %arg12[%mul3A_40, %dma_start3A_228] : memref<10240x128xf32, #tpu.memory_space<vmem_shared>> -> memref<640x128xf32, #tpu.memory_space<vmem_shared>>
      tpu.enqueue_dma source(%dma_start3A_229 : memref<640x128xf32, #tpu.memory_space<vmem_shared>>) target(%dma_start3A_227 : memref<640x128xf32, #tpu.memory_space<hbm>>) target_semaphore(%arg19 : memref<!tpu.dma_semaphore, #tpu.memory_space<semaphore_mem>>)
      %dma_start3A_230 = tpu.memref_slice %arg9[%mul3A_40] : memref<10240xf32, #tpu.memory_space<hbm>> -> memref<640xf32, #tpu.memory_space<hbm>>
      %dma_start3A_231 = tpu.memref_slice %arg13[%mul3A_40] : memref<10240xf32, #tpu.memory_space<vmem_shared>> -> memref<640xf32, #tpu.memory_space<vmem_shared>>
      tpu.enqueue_dma source(%dma_start3A_231 : memref<640xf32, #tpu.memory_space<vmem_shared>>) target(%dma_start3A_230 : memref<640xf32, #tpu.memory_space<hbm>>) target_semaphore(%arg20 : memref<!tpu.dma_semaphore, #tpu.memory_space<semaphore_mem>>)
      %dma_wait3A_232 = arith.constant 0 : i32
      %dma_wait3A_233 = tpu.memref_slice %arg8[%mul3A_40, %dma_wait3A_232] : memref<10240x128xf32, #tpu.memory_space<hbm>> -> memref<640x128xf32, #tpu.memory_space<hbm>>
      %dma_wait3A_234 = arith.constant 0 : i32
      %dma_wait3A_235 = tpu.memref_slice %arg12[%mul3A_40, %dma_wait3A_234] : memref<10240x128xf32, #tpu.memory_space<vmem_shared>> -> memref<640x128xf32, #tpu.memory_space<vmem_shared>>
      tpu.wait_dma2 semaphore(%arg19 : memref<!tpu.dma_semaphore, #tpu.memory_space<semaphore_mem>>) src(%dma_wait3A_235 : memref<640x128xf32, #tpu.memory_space<vmem_shared>>) dst(%dma_wait3A_233 : memref<640x128xf32, #tpu.memory_space<hbm>>)
      %dma_wait3A_236 = tpu.memref_slice %arg9[%mul3A_40] : memref<10240xf32, #tpu.memory_space<hbm>> -> memref<640xf32, #tpu.memory_space<hbm>>
      %dma_wait3A_237 = tpu.memref_slice %arg13[%mul3A_40] : memref<10240xf32, #tpu.memory_space<vmem_shared>> -> memref<640xf32, #tpu.memory_space<vmem_shared>>
      tpu.wait_dma2 semaphore(%arg20 : memref<!tpu.dma_semaphore, #tpu.memory_space<semaphore_mem>>) src(%dma_wait3A_237 : memref<640xf32, #tpu.memory_space<vmem_shared>>) dst(%dma_wait3A_236 : memref<640xf32, #tpu.memory_space<hbm>>)
    } else {
    }
    %eq3A_221 = arith.constant 1 : i32
    %eq3A_222 = arith.cmpi eq, %arg0, %eq3A_221 : i32
    %convert_element_type3A_223 = arith.extui %eq3A_222 : i1 to i32
    %cond3A_224 = arith.constant 0 : i32
    %cond3A_225 = arith.cmpi ne, %convert_element_type3A_223, %cond3A_224 : i32
    scf.if %cond3A_225 {
      %dma_start3A_226 = arith.constant 0 : i32
      %dma_start3A_227 = tpu.memref_slice %arg10[%mul3A_40, %dma_start3A_226] : memref<10240x128xf32, #tpu.memory_space<hbm>> -> memref<640x128xf32, #tpu.memory_space<hbm>>
      %dma_start3A_228 = arith.constant 0 : i32
      %dma_start3A_229 = tpu.memref_slice %arg12[%mul3A_40, %dma_start3A_228] : memref<10240x128xf32, #tpu.memory_space<vmem_shared>> -> memref<640x128xf32, #tpu.memory_space<vmem_shared>>
      tpu.enqueue_dma source(%dma_start3A_229 : memref<640x128xf32, #tpu.memory_space<vmem_shared>>) target(%dma_start3A_227 : memref<640x128xf32, #tpu.memory_space<hbm>>) target_semaphore(%arg19 : memref<!tpu.dma_semaphore, #tpu.memory_space<semaphore_mem>>)
      %dma_start3A_230 = tpu.memref_slice %arg11[%mul3A_40] : memref<10240xf32, #tpu.memory_space<hbm>> -> memref<640xf32, #tpu.memory_space<hbm>>
      %dma_start3A_231 = tpu.memref_slice %arg13[%mul3A_40] : memref<10240xf32, #tpu.memory_space<vmem_shared>> -> memref<640xf32, #tpu.memory_space<vmem_shared>>
      tpu.enqueue_dma source(%dma_start3A_231 : memref<640xf32, #tpu.memory_space<vmem_shared>>) target(%dma_start3A_230 : memref<640xf32, #tpu.memory_space<hbm>>) target_semaphore(%arg20 : memref<!tpu.dma_semaphore, #tpu.memory_space<semaphore_mem>>)
      %dma_wait3A_232 = arith.constant 0 : i32
      %dma_wait3A_233 = tpu.memref_slice %arg10[%mul3A_40, %dma_wait3A_232] : memref<10240x128xf32, #tpu.memory_space<hbm>> -> memref<640x128xf32, #tpu.memory_space<hbm>>
      %dma_wait3A_234 = arith.constant 0 : i32
      %dma_wait3A_235 = tpu.memref_slice %arg12[%mul3A_40, %dma_wait3A_234] : memref<10240x128xf32, #tpu.memory_space<vmem_shared>> -> memref<640x128xf32, #tpu.memory_space<vmem_shared>>
      tpu.wait_dma2 semaphore(%arg19 : memref<!tpu.dma_semaphore, #tpu.memory_space<semaphore_mem>>) src(%dma_wait3A_235 : memref<640x128xf32, #tpu.memory_space<vmem_shared>>) dst(%dma_wait3A_233 : memref<640x128xf32, #tpu.memory_space<hbm>>)
      %dma_wait3A_236 = tpu.memref_slice %arg11[%mul3A_40] : memref<10240xf32, #tpu.memory_space<hbm>> -> memref<640xf32, #tpu.memory_space<hbm>>
      %dma_wait3A_237 = tpu.memref_slice %arg13[%mul3A_40] : memref<10240xf32, #tpu.memory_space<vmem_shared>> -> memref<640xf32, #tpu.memory_space<vmem_shared>>
      tpu.wait_dma2 semaphore(%arg20 : memref<!tpu.dma_semaphore, #tpu.memory_space<semaphore_mem>>) src(%dma_wait3A_237 : memref<640xf32, #tpu.memory_space<vmem_shared>>) dst(%dma_wait3A_236 : memref<640xf32, #tpu.memory_space<hbm>>)
    } else {
    }
    return
  }
}

module attributes {stable_mosaic.version = 14 : i64} {
  func.func @_combine_body(%arg0: i32, %arg1: memref<400x128xf32, #tpu.memory_space<vmem>>, %arg2: memref<400x1xf32, #tpu.memory_space<vmem>>, %arg3: memref<400x128xf32, #tpu.memory_space<vmem>>, %arg4: memref<400x1xf32, #tpu.memory_space<vmem>>, %arg5: memref<128x128xf32, #tpu.memory_space<vmem>>, %arg6: memref<1x128xf32, #tpu.memory_space<vmem>>, %arg7: memref<128x128xf32, #tpu.memory_space<vmem>>, %arg8: memref<1x128xf32, #tpu.memory_space<vmem>>, %arg9: memref<400x128xf32, #tpu.memory_space<vmem>>) attributes {dimension_semantics = [#tpu.dimension_semantics<arbitrary>], iteration_bounds = array<i64: 25>, scalar_prefetch = 0 : i64, scratch_operands = 0 : i64, tpu.core_type = #tpu.core_type<tc>, window_params = [{transform_indices = @transform_0, window_bounds = array<i64: 400, 128>}, {transform_indices = @transform_1, window_bounds = array<i64: 400, 1>}, {transform_indices = @transform_2, window_bounds = array<i64: 400, 128>}, {transform_indices = @transform_3, window_bounds = array<i64: 400, 1>}, {pipeline_mode = #tpu.pipeline_mode<synchronous>, transform_indices = @transform_4, window_bounds = array<i64: 128, 128>}, {pipeline_mode = #tpu.pipeline_mode<synchronous>, transform_indices = @transform_5, window_bounds = array<i64: 1, 128>}, {pipeline_mode = #tpu.pipeline_mode<synchronous>, transform_indices = @transform_6, window_bounds = array<i64: 128, 128>}, {pipeline_mode = #tpu.pipeline_mode<synchronous>, transform_indices = @transform_7, window_bounds = array<i64: 1, 128>}, {transform_indices = @transform_8, window_bounds = array<i64: 400, 128>}]} {
    %get3A = arith.constant 0 : index
    %get3A_0 = arith.constant 0 : index
    %get3A_1 = vector.load %arg2[%get3A, %get3A_0] : memref<400x1xf32, #tpu.memory_space<vmem>>, vector<400x1xf32>
    %get3A_2 = arith.constant 0 : index
    %get3A_3 = arith.constant 0 : index
    %get3A_4 = vector.load %arg4[%get3A_2, %get3A_3] : memref<400x1xf32, #tpu.memory_space<vmem>>, vector<400x1xf32>
    %get3A_5 = arith.constant 0 : index
    %get3A_6 = arith.constant 0 : index
    %get3A_7 = vector.load %arg1[%get3A_5, %get3A_6] : memref<400x128xf32, #tpu.memory_space<vmem>>, vector<400x128xf32>
    %max3A = arith.constant 1.000000e+00 : f32
    %max3A_8 = vector.broadcast %max3A : f32 to vector<400x1xf32>
    %max3A_9 = arith.maximumf %get3A_1, %max3A_8 : vector<400x1xf32>
    %div3A = vector.broadcast %max3A_9 : vector<400x1xf32> to vector<400x128xf32>
    %div3A_10 = arith.divf %get3A_7, %div3A : vector<400x128xf32>
    %get3A_11 = arith.constant 0 : index
    %get3A_12 = arith.constant 0 : index
    %get3A_13 = vector.load %arg3[%get3A_11, %get3A_12] : memref<400x128xf32, #tpu.memory_space<vmem>>, vector<400x128xf32>
    %max3A_14 = arith.constant 1.000000e+00 : f32
    %max3A_15 = vector.broadcast %max3A_14 : f32 to vector<400x1xf32>
    %max3A_16 = arith.maximumf %get3A_4, %max3A_15 : vector<400x1xf32>
    %div3A_17 = vector.broadcast %max3A_16 : vector<400x1xf32> to vector<400x128xf32>
    %div3A_18 = arith.divf %get3A_13, %div3A_17 : vector<400x128xf32>
    %get3A_19 = arith.constant 0 : index
    %get3A_20 = arith.constant 0 : index
    %get3A_21 = vector.load %arg5[%get3A_19, %get3A_20] : memref<128x128xf32, #tpu.memory_space<vmem>>, vector<128x128xf32>
    %dot_general3A = arith.constant dense<0.000000e+00> : vector<400x128xf32>
    %dot_general3A_22 = tpu.matmul %div3A_10, %get3A_21, %dot_general3A {dimension_numbers = #tpu.dot_dimension_numbers<[1], [0], [0], [1], [0, 0, 1, 1], [], []>, transpose_lhs_hint = false} : vector<400x128xf32>, vector<128x128xf32>, vector<400x128xf32> -> vector<400x128xf32>
    %get3A_23 = arith.constant 0 : index
    %get3A_24 = arith.constant 0 : index
    %get3A_25 = vector.load %arg7[%get3A_23, %get3A_24] : memref<128x128xf32, #tpu.memory_space<vmem>>, vector<128x128xf32>
    %dot_general3A_26 = arith.constant dense<0.000000e+00> : vector<400x128xf32>
    %dot_general3A_27 = tpu.matmul %div3A_18, %get3A_25, %dot_general3A_26 {dimension_numbers = #tpu.dot_dimension_numbers<[1], [0], [0], [1], [0, 0, 1, 1], [], []>, transpose_lhs_hint = false} : vector<400x128xf32>, vector<128x128xf32>, vector<400x128xf32> -> vector<400x128xf32>
    %add3A = arith.addf %dot_general3A_22, %dot_general3A_27 : vector<400x128xf32>
    %gt3A = arith.constant 0.000000e+00 : f32
    %gt3A_28 = vector.broadcast %gt3A : f32 to vector<400x1xf32>
    %gt3A_29 = arith.cmpf ogt, %get3A_1, %gt3A_28 : vector<400x1xf32>
    %get3A_30 = arith.constant 0 : index
    %get3A_31 = arith.constant 0 : index
    %get3A_32 = vector.load %arg6[%get3A_30, %get3A_31] : memref<1x128xf32, #tpu.memory_space<vmem>>, vector<1x128xf32>
    %jit3A = arith.constant 0.000000e+00 : f32
    %broadcast_in_dim3A = vector.shape_cast %gt3A_29 : vector<400x1xi1> to vector<400x1xi1>
    %broadcast_in_dim3A_33 = vector.broadcast %broadcast_in_dim3A : vector<400x1xi1> to vector<400x128xi1>
    %broadcast_in_dim3A_34 = vector.shape_cast %get3A_32 : vector<1x128xf32> to vector<1x128xf32>
    %broadcast_in_dim3A_35 = vector.broadcast %broadcast_in_dim3A_34 : vector<1x128xf32> to vector<400x128xf32>
    %broadcast_in_dim3A_36 = vector.broadcast %jit3A : f32 to vector<400x128xf32>
    %select_n3A = arith.select %broadcast_in_dim3A_33, %broadcast_in_dim3A_35, %broadcast_in_dim3A_36 : vector<400x128xi1>, vector<400x128xf32>
    %add3A_37 = arith.addf %add3A, %select_n3A : vector<400x128xf32>
    %gt3A_38 = arith.constant 0.000000e+00 : f32
    %gt3A_39 = vector.broadcast %gt3A_38 : f32 to vector<400x1xf32>
    %gt3A_40 = arith.cmpf ogt, %get3A_4, %gt3A_39 : vector<400x1xf32>
    %get3A_41 = arith.constant 0 : index
    %get3A_42 = arith.constant 0 : index
    %get3A_43 = vector.load %arg8[%get3A_41, %get3A_42] : memref<1x128xf32, #tpu.memory_space<vmem>>, vector<1x128xf32>
    %jit3A_44 = arith.constant 0.000000e+00 : f32
    %broadcast_in_dim3A_45 = vector.shape_cast %gt3A_40 : vector<400x1xi1> to vector<400x1xi1>
    %broadcast_in_dim3A_46 = vector.broadcast %broadcast_in_dim3A_45 : vector<400x1xi1> to vector<400x128xi1>
    %broadcast_in_dim3A_47 = vector.shape_cast %get3A_43 : vector<1x128xf32> to vector<1x128xf32>
    %broadcast_in_dim3A_48 = vector.broadcast %broadcast_in_dim3A_47 : vector<1x128xf32> to vector<400x128xf32>
    %broadcast_in_dim3A_49 = vector.broadcast %jit3A_44 : f32 to vector<400x128xf32>
    %select_n3A_50 = arith.select %broadcast_in_dim3A_46, %broadcast_in_dim3A_48, %broadcast_in_dim3A_49 : vector<400x128xi1>, vector<400x128xf32>
    %add3A_51 = arith.addf %add3A_37, %select_n3A_50 : vector<400x128xf32>
    %swap3A = arith.constant 0 : index
    %swap3A_52 = arith.constant 0 : index
    %swap3A_53 = vector.load %arg9[%swap3A, %swap3A_52] : memref<400x128xf32, #tpu.memory_space<vmem>>, vector<400x128xf32>
    tpu.vector_store %arg9[%swap3A, %swap3A_52], %add3A_51 {strides = array<i32>} : memref<400x128xf32, #tpu.memory_space<vmem>>, vector<400x128xf32>,
    return
  }
  func.func @transform_0(%arg0: i32) -> (i32, i32) {
    %c0_i32 = arith.constant 0 : i32
    %c0_i32_0 = arith.constant 0 : i32
    return %arg0, %c0_i32 : i32, i32
  }
  func.func @transform_1(%arg0: i32) -> (i32, i32) {
    %c0_i32 = arith.constant 0 : i32
    %c0_i32_0 = arith.constant 0 : i32
    return %arg0, %c0_i32 : i32, i32
  }
  func.func @transform_2(%arg0: i32) -> (i32, i32) {
    %c0_i32 = arith.constant 0 : i32
    %c0_i32_0 = arith.constant 0 : i32
    return %arg0, %c0_i32 : i32, i32
  }
  func.func @transform_3(%arg0: i32) -> (i32, i32) {
    %c0_i32 = arith.constant 0 : i32
    %c0_i32_0 = arith.constant 0 : i32
    return %arg0, %c0_i32 : i32, i32
  }
  func.func @transform_4(%arg0: i32) -> (i32, i32) {
    %c0_i32 = arith.constant 0 : i32
    %c0_i32_0 = arith.constant 0 : i32
    %c0_i32_1 = arith.constant 0 : i32
    return %c0_i32, %c0_i32_0 : i32, i32
  }
  func.func @transform_5(%arg0: i32) -> (i32, i32) {
    %c0_i32 = arith.constant 0 : i32
    %c0_i32_0 = arith.constant 0 : i32
    %c0_i32_1 = arith.constant 0 : i32
    return %c0_i32, %c0_i32_0 : i32, i32
  }
  func.func @transform_6(%arg0: i32) -> (i32, i32) {
    %c0_i32 = arith.constant 0 : i32
    %c0_i32_0 = arith.constant 0 : i32
    %c0_i32_1 = arith.constant 0 : i32
    return %c0_i32, %c0_i32_0 : i32, i32
  }
  func.func @transform_7(%arg0: i32) -> (i32, i32) {
    %c0_i32 = arith.constant 0 : i32
    %c0_i32_0 = arith.constant 0 : i32
    %c0_i32_1 = arith.constant 0 : i32
    return %c0_i32, %c0_i32_0 : i32, i32
  }
  func.func @transform_8(%arg0: i32) -> (i32, i32) {
    %c0_i32 = arith.constant 0 : i32
    %c0_i32_0 = arith.constant 0 : i32
    return %arg0, %c0_i32 : i32, i32
  }
}

</mosaic_0001>

<sc_bundles>
// kernel: kernel.4.cloned.1.call-start
scs
__scs_entry_jumppad:
0x0: {  	(pc) =	sbr.rel $0x88, $3  }
0x1: {  	(tag) =	ssettag $0x0;
	lr =	simm.s32 $0x1  }
0x2: {  	[smem:$0x3F99] =	sst lr;
	_ =	strace $0xD0000000  }
0x3: {  	_ = 	snop  }
0x4: {  	_ = 	snop  }
0x5: {  	_ = 	snop  }
0x6: {  	_ = 	snop  }
0x7: {  	_ = 	snop  }
__scs_overlays_trampoline_lowered:
0x8: {  	[smem:$0x3FA8] =	sst s0  }
0x9: {  	[smem:$0x3FA9] =	sst s1  }
0xa: {  	[smem:$0x3FAA] =	sst s2  }
0xb: {  	[smem:$0x3FAB] =	sst s3  }
0xc: {  	[smem:$0x3FAC] =	sst s4  }
0xd: {  	[smem:$0x3FAD] =	sst s5  }
0xe: {  	[smem:$0x3FAE] =	sst s6  }
0xf: {  	[smem:$0x3FAF] =	sst s7  }
0x10: {  	[smem:$0x3FB0] =	sst s8  }
0x11: {  	[smem:$0x3FB1] =	sst s9;
	s0 =	simm.s32 @!p0 $0x0  }
0x12: {  	s1 =	sld [smem:$0x3F97];
	s0 =	simm.s32 @p0 $0x1  }
0x13: {  	[smem:$0x3FB2] =	sst s0;
	s0 =	simm.s32 @!p1 $0x0  }
0x14: {  	s2 =	sld [smem:$0x3F96];
	s0 =	simm.s32 @p1 $0x1  }
0x15: {  	[smem:$0x3FB3] =	sst s0;
	s0 =	simm.s32 @!p2 $0x0  }
0x16: {  	s3 =	sld [smem:$0x3FDB];
	s0 =	simm.s32 @p2 $0x1  }
0x17: {  	s4 =	simm.s32 $0x1BF5;
	[smem:$0x3FB5] =	sst s0  }
0x18: {  	s0 =	sld [smem:$0x3F98];
	_ =	swait.ge [sflag:s4], $0x0  }
0x19: {  	s7 =	sld [smem:$0x3F99]  }
0x1a: {  	s8 =	sadd.s32 $0xFFFFE003, lr  }
0x1b: {  	s9 =	sadd.s32 $0xFFFFFEF7, lr;
	s5 =	simm.s32 $0xFFFFFFFF;
	p2 =	slt.u32 s8, $0xFFFFF086  }
0x1c: {  	p1 =	slt.u32 s9, $0xF7A;
	s5 =	simm.s32 @!p2 $0x0  }
0x1d: {  	s5 =	simm.s32 @p1 $0x1;
	p0 =	seq.s32 s7, s2  }
0x1e: {  	s7 =	smul.u32 @!p0 $0xF7A, s2;
	p2 =	seq.s32 @!p0 s5, $0x0  }
0x1f: {  	s9 =	smul.u32 $0xF7A, s1;
	s8 =	simm.s32 @!p0 $0x1BF5;
	p2 =	por !p2, p0  }
0x20: {  	[sflag:s8] =	ssyncset.s32 @!p0 $0xFFFFF086;
	s6 =	sadd.s32 @!p0 s3, s7;
	s7 =	simm.s32 @!p0 $0x108  }
0x21: {  	s3 =	sadd.s32 s3, s9;
	s6 =	sadd.s32 @!p0 $0x88, s6;
	s7 =	simm.s32 @p2 $0x1082  }
0x22: {  	[simem:s7], [sflag:s8] =	dma.local @!p0 [hbm:s6], $0xF7A  }
0x23: {  	s9 =	sor.u32 $0xD0000000, s2;
	s6 =	simm.s32 $0x108;
	_ =	swait.ge @!p0 [sflag:s8], $0x0  }
0x24: {  	s3 =	sadd.s32 $0x88, s3;
	s6 =	simm.s32 @!p1 $0x1082;
	[sflag:s4] =	ssyncset.s32 $0xFFFFF086  }
0x25: {  	[simem:s6], [sflag:s4] =	dma.local [hbm:s3], $0xF7A  }
0x26: {  	[smem:$0x3F99] =	sst s1;
	(tag) =	ssettag s2;
	_ =	strace s9  }
0x27: {  	s1 =	sld [smem:$0x3FA9]  }
0x28: {  	s2 =	sld [smem:$0x3FAA]  }
0x29: {  	s4 =	sld [smem:$0x3FAC]  }
0x2a: {  	p0 =	seq.s32 s5, $0x0;
	s5 =	sld [smem:$0x3FAD]  }
0x2b: {  	s6 =	sld [smem:$0x3FAE]  }
0x2c: {  	s7 =	sld [smem:$0x3FAF]  }
0x2d: {  	s3 =	simm.s32 $0x108;
	s8 =	sld [smem:$0x3FB0]  }
0x2e: {  	s3 =	simm.s32 @!p0 $0x1082;
	s9 =	sld [smem:$0x3FB1]  }
0x2f: {  	lr =	sadd.s32 s0, s3;
	s0 =	sld [smem:$0x3FA8]  }
0x30: {  	s3 =	sld [smem:$0x3FAB]  }
0x31: {  	[smem:$0x3FB4] =	sst s10  }
0x32: {  	s10 =	sld [smem:$0x3FB2];
	_ =	sdelay $0x3  }
0x33: {  	p0 =	seq.s32 s10, $0x1;
	s10 =	sld [smem:$0x3FB4];
	_ =	sdelay $0x3  }
0x34: {  	[smem:$0x3FB4] =	sst s10  }
0x35: {  	s10 =	sld [smem:$0x3FB3];
	_ =	sdelay $0x3  }
0x36: {  	p1 =	seq.s32 s10, $0x1;
	s10 =	sld [smem:$0x3FB4];
	_ =	sdelay $0x3  }
0x37: {  	[smem:$0x3FB4] =	sst s10  }
0x38: {  	s10 =	sld [smem:$0x3FB5]  }
0x39: {  	_ = 	snop;
	(pc) =	sbr.ind lr, $3  }
0x3a: {  	_ = 	snop  }
0x3b: {  	_ = 	snop  }
0x3c: {  	p2 =	seq.s32 s10, $0x1;
	s10 =	sld [smem:$0x3FB4]  }
0x3d: {  	_ =	shalt  }
0x3e: {  	_ =	shalt  }
0x3f: {  	_ =	shalt  }
0x40: {  	_ =	shalt  }
0x41: {  	_ =	shalt  }
0x42: {  	_ =	shalt  }
0x43: {  	_ =	shalt  }
0x44: {  	_ =	shalt  }
0x45: {  	_ =	shalt  }
0x46: {  	_ =	shalt  }
0x47: {  	_ =	shalt  }
0x48: {  	_ =	shalt  }
0x49: {  	_ =	shalt  }
0x4a: {  	_ =	shalt  }
0x4b: {  	_ =	shalt  }
0x4c: {  	_ =	shalt  }
0x4d: {  	_ =	shalt  }
0x4e: {  	_ =	shalt  }
0x4f: {  	_ =	shalt  }
0x50: {  	_ =	shalt  }
0x51: {  	_ =	shalt  }
0x52: {  	_ =	shalt  }
0x53: {  	_ =	shalt  }
0x54: {  	_ =	shalt  }
0x55: {  	_ =	shalt  }
0x56: {  	_ =	shalt  }
0x57: {  	_ =	shalt  }
0x58: {  	_ =	shalt  }
0x59: {  	_ =	shalt  }
0x5a: {  	_ =	shalt  }
0x5b: {  	_ =	shalt  }
0x5c: {  	_ =	shalt  }
0x5d: {  	_ =	shalt  }
0x5e: {  	_ =	shalt  }
0x5f: {  	_ =	shalt  }
0x60: {  	_ =	shalt  }
0x61: {  	_ =	shalt  }
0x62: {  	_ =	shalt  }
0x63: {  	_ =	shalt  }
0x64: {  	_ =	shalt  }
0x65: {  	_ =	shalt  }
0x66: {  	_ =	shalt  }
0x67: {  	_ =	shalt  }
0x68: {  	_ =	shalt  }
0x69: {  	_ =	shalt  }
0x6a: {  	_ =	shalt  }
0x6b: {  	_ =	shalt  }
0x6c: {  	_ =	shalt  }
0x6d: {  	_ =	shalt  }
0x6e: {  	_ =	shalt  }
0x6f: {  	_ =	shalt  }
0x70: {  	_ =	shalt  }
0x71: {  	_ =	shalt  }
0x72: {  	_ =	shalt  }
0x73: {  	_ =	shalt  }
0x74: {  	_ =	shalt  }
0x75: {  	_ =	shalt  }
0x76: {  	_ =	shalt  }
0x77: {  	_ =	shalt  }
0x78: {  	_ =	shalt  }
0x79: {  	_ =	shalt  }
0x7a: {  	_ =	shalt  }
0x7b: {  	_ =	shalt  }
0x7c: {  	_ =	shalt  }
0x7d: {  	_ =	shalt  }
0x7e: {  	_ =	shalt  }
0x7f: {  	_ =	shalt  }
0x80: {  	_ =	shalt  }
0x81: {  	_ =	shalt  }
0x82: {  	_ =	shalt  }
0x83: {  	_ =	shalt  }
0x84: {  	_ =	shalt  }
0x85: {  	_ =	shalt  }
0x86: {  	_ =	shalt  }
0x87: {  	_ =	shalt  }
.Lfunc_end0:
.L_simem_size_0:
called_computation_lowered:
.L_overlay_start_0:
0x88: {  	s2 =	sld [smem:$0x3FD9]  }
0x89: {  	s3 =	sld [smem:$0x3FFE];
	_ =	sdelay $0x1  }
0x8a: {  	s1 =	srdreg.scid  }
0x8b: {  	s0 =	sand.u32 $0x1, s1  }
0x8c: {  	s17 =	sshll.u32 s0, $0xA;
	s2 =	sadd.s32 s3, s2  }
0x8d: {  	s2 =	sadd.s32 s2, s17  }
0x8e: {  	[smem:$0x3FC0] =	sst s2  }
0x8f: {  	_ = 	snop  }
0x90: {  	s2 =	sld [smem:$0x3FC9]  }
0x91: {  	s18 =	sld [smem:$0x3FC8]  }
0x92: {  	s4 =	sld [smem:$0x3FD0];
	(tm) =	ssettm $0x1  }
0x93: {  	s5 =	sld [smem:$0x3FFB];
	_ =	sdelay $0x3  }
0x94: {  	_ =	strace s5  }
0x95: {  	s5 =	sld [smem:$0x3FFC];
	_ =	sdelay $0x3  }
0x96: {  	_ =	strace s5  }
0x97: {  	s5 =	sld [smem:$0x3FFD];
	_ =	sdelay $0x3  }
0x98: {  	_ =	strace s5  }
0x99: {  	_ =	strace $0x8FFFFFFF  }
0x9a: {  	s19 =	sld [smem:$0x3FDB];
	_ =	sdelay $0x1  }
0x9b: {  	s6 =	simm.s32 $_scs_section_size  }
0x9c: {  	s7 =	simm.s32 $_size__tile_overlayer_lowered;
	s8 =	simm.s32 $_tile_overlayer_lowered  }
0x9d: {  	s22 =	simm.s32 $0x1BFF;
	s21 =	sshll.u32 s8, $0x1;
	s5 =	sadd.s32 s6, s19  }
0x9e: {  	s9 =	simm.s32 $0x0;
	s20 =	sshll.u32 s7, $0x1;
	s7 =	sadd.s32 s21, s5  }
0x9f: {  	[timem:s9], [sflag:s22] =	dma.local [hbm:s7], s20  }
0xa0: {  	_ =	swait.ge [sflag:s22], s20  }
0xa1: {  	s6 =	ssub.s32 $0x0, s20;
	[sflag:s22] =	ssyncset.done $0x0  }
0xa2: {  	[sflag:s22] =	ssyncadd.s32 s6;
	_ =	sdelay $0x1  }
0xa3: {  	s23 =	simm.s32 $0x1B8B  }
0xa4: {  	_ =	swait.ge [sflag:s23], $0x1  }
0xa5: {  	[sflag:s23] =	ssyncset.done $0x0  }
0xa6: {  	s25 =	simm.s32 $0x1B8E;
	s24 =	sld [smem:$0x3FFE];
	[sflag:s23] =	ssyncadd.s32 $0xFFFFFFFF  }
0xa7: {  	s26 =	simm.s32 $execute0_lowered;
	[smem:$0x3FD2] =	sst s25  }
0xa8: {  	s7 =	sshll.u32 s26, $0x1;
	_ =	strace $0x80000046;
	[dreg:$0x1] =	wrdreg $0xFFFFFFFF  }
0xa9: {  	s28 =	simm.s32 $_size_execute0_lowered;
	s5 =	sadd.s32 s5, s7;
	[dreg:$0x0] =	wrdreg $0x0  }
0xaa: {  	s7 =	sshll.u32 s28, $0x1;
	[dreg:$0x2] =	wrdreg s5  }
0xab: {  	[dreg:$0x3] =	wrdreg s7  }
0xac: {  	[dreg:$0x4] =	wrdreg $0xC0  }
0xad: {  	_ =	task [dreg:s9], $0x5FFFF  }
0xae: {  	[dreg:$0x1] =	wrdreg $0xFFFFFFFF  }
0xaf: {  	[dreg:$0x0] =	wrdreg $0x60  }
0xb0: {  	[dreg:$0x2] =	wrdreg s2  }
0xb1: {  	[dreg:$0x3] =	wrdreg s18  }
0xb2: {  	[dreg:$0x4] =	wrdreg s4  }
0xb3: {  	[dreg:$0x5] =	wrdreg s24  }
0xb4: {  	[dreg:$0x6] =	wrdreg $0x0  }
0xb5: {  	[dreg:$0x7] =	wrdreg $0x140000  }
0xb6: {  	[dreg:$0x8] =	wrdreg $0x9  }
0xb7: {  	_ =	task.clear_ibuf [dreg:s9], $0x9FFFF;
	_ =	strace $0x90000046  }
0xb8: {  	s29 =	simm.s32 $0x9;
	_ =	strace $0x80000048  }
0xb9: {  	_ =	swait.ge [sflag:s29], $0x1  }
0xba: {  	[sflag:s29] =	ssyncadd.s32 $0xFFFFFFFF  }
0xbb: {  	_ =	strace $0x90000048  }
0xbc: {  	_ =	sfence  }
0xbd: {  	s30 =	sld [smem:$0x0];
	_ =	sdelay $0x2  }
0xbe: {  	s31 =	sshll.u32 s1, $0xD;
	s1 =	sshrl.u32 s1, $0x2  }
0xbf: {  	s3 =	sand.u32 $0x4000, s31;
	s1 =	sadd.s32 s1, s30  }
0xc0: {  	s0 =	sor.u32 s3, s0;
	s1 =	sshll.u32 s1, $0x11  }
0xc1: {  	s0 =	sor.u32 s1, s0  }
0xc2: {  	s0 =	sadd.s32 $0x8F2B, s0  }
0xc3: {  	[sflag:s0] =	ssyncadd.remote.s32 $0x1  }
0xc4: {  	_ =	sfence.sel $0xFFFF  }
0xc5: {  	[dreg:$0x0] =	wrdreg $0xFFFFFFFF;
	(pc) =	sbr.abs _section_cstart, $3  }
0xc6: {  	[dreg:$0x1] =	wrdreg $0xFFFFFFFF  }
0xc7: {  	_ =	task.clear_ibuf [dreg:s9], $0x2FFFF;
	_ =	strace $0x9FFFFFFF  }
0xc8: {  	(tm) =	ssettm $0x7FFFFFFF  }
0xc9: {  	_ =	shalt  }
tec
execute0_lowered:
.L_overlay_start_1:
0x0: {  	(tag) =	ssettag $0x1  }
0x1: {  	s1 =	rddreg [dreg:$0x0]  }
0x2: {  	s2 =	rddreg [dreg:$0x1]  }
0x3: {  	s3 =	rddreg [dreg:$0x2]  }
0x4: {  	s0 =	rddreg [dreg:$0x3]  }
0x5: {  	s4 =	rddreg [dreg:$0x4]  }
0x6: {  	s5 =	rddreg [dreg:$0x5];
	s6 =	simm.s32 $0x0;
	s7 =	srdreg.scid  }
0x7: {  	s15 =	stileid.u32;
	s30 =	simm.s32 $0x16A80;
	s31 =	simm.s32 $0x1  }
0x8: {  	[smem:$0x7FF] =	sst s6;
	s8 =	sadd.s32 $0x400, s0;
	s9 =	sadd.s32 $0x14400, s0  }
0x9: {  	s10 =	sadd.s32 $0xA400, s0;
	s7 =	sand.u32 $0x1, s7;
	s11 =	sadd.s32 $0x47000, s0  }
0xa: {  	s13 =	sadd.s32 $0x1E400, s0;
	_ =	strace $0x80000047;
	[dreg:$0x7] =	wrdreg s11  }
0xb: {  	s12 =	smul.u32 $0x280, s15;
	s16 =	sadd.s32 $0x1F000, s0;
	[dreg:$0x8] =	wrdreg s13  }
0xc: {  	s14 =	smul.u32 $0x50000, s15;
	s0 =	sadd.s32 $0x1EA00, s0;
	[dreg:$0x9] =	wrdreg s16  }
0xd: {  	s24 =	ssub.s32 $0x2, s7;
	[dreg:$0xa] =	wrdreg s0;
	p0 =	sne.s32 s7, $0x0  }
0xe: {  	s13 =	simm.s32 $0x15680;
	s16 =	simm.s32 $0x1AA80;
	s25 =	sshrl.u32 s24, $0x1  }
0xf: {  	s26 =	sshrl.u32 s14, $0x2;
	s28 =	sadd.s32 $0x80, s12;
	s29 =	sadd.s32 $0x100, s12  }
0x10: {  	s22 =	sadd.s32 $0x180, s12;
	s23 =	sadd.s32 $0x200, s12;
	s0 =	ssub.s32 s24, s25  }
0x11: {  	s11 =	sadd.s32 s26, s4;
	s17 =	sshll.u32 s28, $0x7;
	s18 =	sshll.u32 s29, $0x7  }
0x12: {  	s19 =	sadd.s32 s28, s5;
	s21 =	sadd.s32 s29, s5;
	[dreg:$0xb] =	wrdreg s11  }
0x13: {  	s24 =	sshll.u32 s22, $0x7;
	s25 =	sshll.u32 s23, $0x7;
	[dreg:$0xd] =	wrdreg s19  }
0x14: {  	s26 =	sadd.s32 s23, s5;
	s28 =	sshrl.u32 s12, $0x3;
	[dreg:$0xf] =	wrdreg s21  }
0x15: {  	s29 =	smul.u32 $0x2800, s15;
	s11 =	sadd.s32 s17, s4;
	[dreg:$0x13] =	wrdreg s26  }
0x16: {  	s20 =	sadd.s32 s18, s4;
	s14 =	sadd.s32 s24, s4;
	[dreg:$0x14] =	wrdreg s28  }
0x17: {  	s7 =	sadd.s32 s25, s4;
	s24 =	sadd.s32 s12, s5;
	[dreg:$0xc] =	wrdreg s11  }
0x18: {  	s25 =	smul.u32 $0x5000, s15;
	s0 =	smax.u32 s0, $0x1;
	[dreg:$0xe] =	wrdreg s20  }
0x19: {  	s12 =	simm.s32 $0x6;
	s17 =	simm.s32 $0x1EA80;
	[dreg:$0x10] =	wrdreg s14  }
.Ltmp0:
0x1a: {  	s18 =	simm.s32 $0x15700;
	[dreg:$0x12] =	wrdreg s7;
	(pc) =	sbr.rel .LBB2_1-.Ltmp0, $4  }
0x1b: {  	s19 =	simm.s32 $0x3;
	s21 =	simm.s32 $0x5;
	[dreg:$0x15] =	wrdreg s0  }
0x1c: {  	s11 =	sadd.s32 s22, s5;
	[dreg:$0x16] =	wrdreg s29;
	s0 =	simm.s32 $0x2  }
0x1d: {  	s14 =	simm.s32 $0x80;
	s7 =	simm.s32 $0x14300;
	s20 =	simm.s32 $0x4  }
0x1e: {  	v0 =	vimm.f32 $0.0e+00;
	v1 =	vimm.f32 $1.000000000e+00;
	s22 =	simm.s32 $0x0;
	[dreg:$0x11] =	wrdreg s11;
	s11 =	simm.s32 $0x14280  }
.LBB2_12:
0x1f: {  	s15 =	rddreg [dreg:$0x16];
	s29 =	stileid.u32;
	[bflag:$0x0] =	sbarrier.arrive $0xFFFF  }
0x20: {  	s26 =	sadd.s32 s26, s15;
	s28 =	sshll.u32 s29, $0x6;
	s15 =	rddreg [dreg:$0xb]  }
0x21: {  	s29 =	sor.u32 $0x1C01, s28;
	s15 =	sshrl.u32 s15, $0x3  }
0x22: {  	[hbm:s26], [sflag:s29] =	dma.local [spmem:s15], $0x2800  }
0x23: {  	s15 =	rddreg [dreg:$0x14]  }
0x24: {  	s26 =	sor.u32 $0x1C02, s28;
	s28 =	sshrl.u32 s24, $0x3;
	s15 =	sadd.s32 s23, s15  }
0x25: {  	[hbm:s15], [sflag:s26] =	dma.local [spmem:s28], $0x50  }
0x26: {  	_ =	swait.ge [sflag:s31], $0x2800  }
0x27: {  	[sflag:s31] =	ssyncset.done $0x0  }
0x28: {  	[sflag:s31] =	ssyncadd.s32 $0xFFFFD800  }
0x29: {  	_ =	swait.ge [sflag:s0], $0x50  }
0x2a: {  	s22 =	sadd.s32 $0x1, s22;
	s29 =	rddreg [dreg:$0x15]  }
0x2b: {  	p1 =	sne.s32 s22, s29  }
.Ltmp1:
0x2c: {  	_ = 	snop;
	(pc) =	sbr.rel @!p1 .LBB2_13-.Ltmp1, $3  }
0x2d: {  	_ =	sdelay $0x1  }
0x2e: {  	[sflag:s0] =	ssyncset.done $0x0  }
0x2f: {  	[sflag:s0] =	ssyncadd.s32 $0xFFFFFFB0  }
.LBB2_1:
0x30: {  	s23 =	simm.s32 $0x0;
	s26 =	simm.s32 $0x200  }
.LBB2_2:
0x31: {  	p1 =	sne.s32 s26, $0xFE00;
	[tilespmem:s23+$0x16AF0] =	vst v0  }
0x32: {  	[tilespmem:s23+$0x16A80] =	vst v0  }
0x33: {  	[tilespmem:s23+$0x16A90] =	vst v0  }
.Ltmp2:
0x34: {  	[tilespmem:s23+$0x16AA0] =	vst v0;
	(pc) =	sbr.rel @p1 .LBB2_2-.Ltmp2, $4  }
0x35: {  	[tilespmem:s23+$0x16AB0] =	vst v0  }
0x36: {  	[tilespmem:s23+$0x16AC0] =	vst v0  }
0x37: {  	[tilespmem:s23+$0x16AD0] =	vst v0  }
0x38: {  	[tilespmem:s23+$0x16AE0] =	vst v0;
	s23 =	sshra.s32 s26, $0x2;
	s26 =	sadd.s32 $0x200, s26  }
0x39: {  	[tilespmem:s23+$0x16AF0] =	vst v0  }
0x3a: {  	[tilespmem:s23+$0x16A80] =	vst v0  }
0x3b: {  	[tilespmem:s23+$0x16A90] =	vst v0  }
0x3c: {  	[tilespmem:s23+$0x16AA0] =	vst v0  }
0x3d: {  	[tilespmem:s23+$0x16AB0] =	vst v0  }
0x3e: {  	[tilespmem:s23+$0x16AC0] =	vst v0  }
0x3f: {  	[tilespmem:s23+$0x16AD0] =	vst v0  }
0x40: {  	[tilespmem:s23+$0x16AE0] =	vst v0  }
0x41: {  	[tilespmem:$0x1EA80] =	vst v1  }
0x42: {  	[tilespmem:$0x1EA90] =	vst v1  }
0x43: {  	[tilespmem:$0x1EAA0] =	vst v1  }
0x44: {  	[tilespmem:$0x1EAB0] =	vst v1  }
0x45: {  	[tilespmem:$0x1EAC0] =	vst v1  }
0x46: {  	[tilespmem:$0x1EAD0] =	vst v1  }
0x47: {  	[tilespmem:$0x1EAE0] =	vst v1  }
0x48: {  	s15 =	rddreg [dreg:$0xb];
	[tilespmem:$0x1EAF0] =	vst v1  }
0x49: {  	[spmem:s15] =	stream.linear.scatter [tilespmem:s30], [sflag:$0x1], $0x4000, $0x38;
	[tilespmem:$0x1EB00] =	vst v63  }
0x4a: {  	_ = 	snop  }
0x4b: {  	[spmem:s24] =	stream.linear.scatter [tilespmem:s30], [sflag:$0x2], $0x80, $0x38;
	[tilespmem:$0x1EB00] =	vst v63  }
0x4c: {  	s23 =	rddreg [dreg:$0xc]  }
0x4d: {  	[spmem:s23] =	stream.linear.scatter [tilespmem:s30], [sflag:$0x1], $0x4000, $0x38;
	[tilespmem:$0x1EB00] =	vst v63  }
0x4e: {  	s26 =	rddreg [dreg:$0xd]  }
0x4f: {  	[spmem:s26] =	stream.linear.scatter [tilespmem:s30], [sflag:$0x2], $0x80, $0x38;
	[tilespmem:$0x1EB00] =	vst v63  }
0x50: {  	s28 =	rddreg [dreg:$0xe]  }
0x51: {  	[spmem:s28] =	stream.linear.scatter [tilespmem:s30], [sflag:$0x1], $0x4000, $0x38;
	[tilespmem:$0x1EB00] =	vst v63  }
0x52: {  	s29 =	rddreg [dreg:$0xf]  }
0x53: {  	[spmem:s29] =	stream.linear.scatter [tilespmem:s30], [sflag:$0x2], $0x80, $0x38;
	[tilespmem:$0x1EB00] =	vst v63  }
0x54: {  	s23 =	rddreg [dreg:$0x10]  }
0x55: {  	[spmem:s23] =	stream.linear.scatter [tilespmem:s30], [sflag:$0x1], $0x4000, $0x38;
	[tilespmem:$0x1EB00] =	vst v63  }
0x56: {  	s26 =	rddreg [dreg:$0x11]  }
0x57: {  	[spmem:s26] =	stream.linear.scatter [tilespmem:s30], [sflag:$0x2], $0x80, $0x38;
	[tilespmem:$0x1EB00] =	vst v63  }
0x58: {  	s28 =	rddreg [dreg:$0x12]  }
0x59: {  	[spmem:s28] =	stream.linear.scatter [tilespmem:s30], [sflag:$0x1], $0x4000, $0x38;
	[tilespmem:$0x1EB00] =	vst v63  }
0x5a: {  	s29 =	rddreg [dreg:$0x13]  }
0x5b: {  	[spmem:s29] =	stream.linear.scatter [tilespmem:s30], [sflag:$0x2], $0x80, $0x38;
	[tilespmem:$0x1EB00] =	vst v63  }
0x5c: {  	_ =	swait.ge [sflag:s31], $0x4000  }
0x5d: {  	[sflag:s31] =	ssyncset.done $0x0  }
0x5e: {  	[sflag:s31] =	ssyncadd.s32 $0xFFFFC000  }
0x5f: {  	_ =	swait.ge [sflag:s0], $0x80  }
0x60: {  	[sflag:s0] =	ssyncset.done $0x0  }
0x61: {  	[sflag:s0] =	ssyncadd.s32 $0xFFFFFF80  }
0x62: {  	_ =	swait.ge [sflag:s31], $0x4000  }
0x63: {  	[sflag:s31] =	ssyncset.done $0x0  }
0x64: {  	[sflag:s31] =	ssyncadd.s32 $0xFFFFC000  }
0x65: {  	_ =	swait.ge [sflag:s0], $0x80  }
0x66: {  	[sflag:s0] =	ssyncset.done $0x0  }
0x67: {  	[sflag:s0] =	ssyncadd.s32 $0xFFFFFF80  }
0x68: {  	_ =	swait.ge [sflag:s31], $0x4000  }
0x69: {  	[sflag:s31] =	ssyncset.done $0x0  }
0x6a: {  	[sflag:s31] =	ssyncadd.s32 $0xFFFFC000  }
0x6b: {  	_ =	swait.ge [sflag:s0], $0x80  }
0x6c: {  	[sflag:s0] =	ssyncset.done $0x0  }
0x6d: {  	[sflag:s0] =	ssyncadd.s32 $0xFFFFFF80  }
0x6e: {  	_ =	swait.ge [sflag:s31], $0x4000  }
0x6f: {  	[sflag:s31] =	ssyncset.done $0x0  }
0x70: {  	[sflag:s31] =	ssyncadd.s32 $0xFFFFC000  }
0x71: {  	_ =	swait.ge [sflag:s0], $0x80  }
0x72: {  	[sflag:s0] =	ssyncset.done $0x0  }
0x73: {  	[sflag:s0] =	ssyncadd.s32 $0xFFFFFF80  }
0x74: {  	_ =	swait.ge [sflag:s31], $0x4000  }
0x75: {  	[sflag:s31] =	ssyncset.done $0x0  }
0x76: {  	[sflag:s31] =	ssyncadd.s32 $0xFFFFC000  }
.Ltmp3:
0x77: {  	_ =	swait.ge [sflag:s0], $0x80;
	(pc) =	sbr.rel @p0 .LBB2_8-.Ltmp3, $4  }
0x78: {  	[sflag:s0] =	ssyncset.done $0x0  }
0x79: {  	[sflag:s0] =	ssyncadd.s32 $0xFFFFFF80  }
0x7a: {  	[bflag:$0x0] =	sbarrier.arrive $0xFFFF  }
0x7b: {  	s23 =	simm.s32 $0x0  }
.LBB2_4:
0x7c: {  	s26 =	smul.u32 $0x1400, s23;
	_ =	sdelay $0x1  }
0x7d: {  	s26 =	sadd.s32 s25, s26  }
0x7e: {  	s26 =	sshrl.u32 s26, $0x3  }
0x7f: {  	s28 =	sadd.s32 s3, s26  }
0x80: {  	[tilespmem:s11], [sflag:$0x6] =	stream.linear.gather [hbm4b:s28+s6], $0x1400, $0x38;
	[tilespmem:$0x1EB00] =	vst v63  }
0x81: {  	_ =	swait.ge [sflag:s12], $0x1400  }
0x82: {  	[sflag:s12] =	ssyncset.done $0x0  }
0x83: {  	s26 =	sadd.s32 s8, s26;
	[sflag:s12] =	ssyncadd.s32 $0xFFFFEC00  }
0x84: {  	[tilespmem:s13], [sflag:$0x6] =	stream.linear.gather [hbm4b:s26+s6], $0x1400, $0x38;
	[tilespmem:$0x1EB00] =	vst v63  }
0x85: {  	_ =	swait.ge [sflag:s12], $0x1400  }
0x86: {  	[sflag:s12] =	ssyncset.done $0x0  }
0x87: {  	[sflag:s12] =	ssyncadd.s32 $0xFFFFEC00  }
0x88: {  	[tilespmem:s30], [sflag:$0x1] =	stream.indirect.gather [hbm4b:s1+s14], $0x80, s11, s14, $0xb8;
	[tilespmem:$0x1EB00] =	vst v63  }
0x89: {  	_ = 	snop  }
0x8a: {  	[tilespmem:s16], [sflag:$0x2] =	stream.indirect.gather [hbm4b:s1+s14], $0x80, s7, s14, $0xb8;
	[tilespmem:$0x1EB00] =	vst v63  }
0x8b: {  	_ =	swait.ge [sflag:s31], $0x4000  }
0x8c: {  	[sflag:s31] =	ssyncset.done $0x0  }
0x8d: {  	[sflag:s31] =	ssyncadd.s32 $0xFFFFC000  }
0x8e: {  	[spmem:s4] =	stream.indirect.scatter.add.f32 [tilespmem:s30], [sflag:$0x3], $0x80, s13, s14, $0xb8;
	[tilespmem:$0x1EB00] =	vst v63  }
0x8f: {  	_ = 	snop  }
0x90: {  	[spmem:s5] =	stream.indirect.scatter.add.f32 [tilespmem:s17], [sflag:$0x5], $0x1, s13, s14, $0xb8;
	[tilespmem:$0x1EB00] =	vst v63  }
0x91: {  	_ =	swait.ge [sflag:s0], $0x4000  }
0x92: {  	[sflag:s0] =	ssyncset.done $0x0  }
0x93: {  	[sflag:s0] =	ssyncadd.s32 $0xFFFFC000  }
0x94: {  	[spmem:s4] =	stream.indirect.scatter.add.f32 [tilespmem:s16], [sflag:$0x4], $0x80, s18, s14, $0xb8;
	[tilespmem:$0x1EB00] =	vst v63  }
0x95: {  	_ = 	snop  }
0x96: {  	[spmem:s5] =	stream.indirect.scatter.add.f32 [tilespmem:s17], [sflag:$0x5], $0x1, s18, s14, $0xb8;
	[tilespmem:$0x1EB00] =	vst v63  }
0x97: {  	_ =	swait.ge [sflag:s19], $0x4000  }
0x98: {  	[sflag:s19] =	ssyncset.done $0x0  }
0x99: {  	s29 =	simm.s32 $0x14380;
	[sflag:s19] =	ssyncadd.s32 $0xFFFFC000  }
0x9a: {  	[tilespmem:s30], [sflag:$0x1] =	stream.indirect.gather [hbm4b:s1+s14], $0x80, s29, s14, $0xb8;
	[tilespmem:$0x1EB00] =	vst v63  }
0x9b: {  	_ =	swait.ge [sflag:s20], $0x4000  }
0x9c: {  	[sflag:s20] =	ssyncset.done $0x0  }
0x9d: {  	s15 =	simm.s32 $0x14400;
	[sflag:s20] =	ssyncadd.s32 $0xFFFFC000  }
0x9e: {  	[tilespmem:s16], [sflag:$0x2] =	stream.indirect.gather [hbm4b:s1+s14], $0x80, s15, s14, $0xb8;
	[tilespmem:$0x1EB00] =	vst v63  }
0x9f: {  	_ =	swait.ge [sflag:s31], $0x4000  }
0xa0: {  	[sflag:s31] =	ssyncset.done $0x0  }
0xa1: {  	s28 =	simm.s32 $0x15780;
	[sflag:s31] =	ssyncadd.s32 $0xFFFFC000  }
0xa2: {  	[spmem:s4] =	stream.indirect.scatter.add.f32 [tilespmem:s30], [sflag:$0x3], $0x80, s28, s14, $0xb8;
	[tilespmem:$0x1EB00] =	vst v63  }
0xa3: {  	_ = 	snop  }
0xa4: {  	[spmem:s5] =	stream.indirect.scatter.add.f32 [tilespmem:s17], [sflag:$0x5], $0x1, s28, s14, $0xb8;
	[tilespmem:$0x1EB00] =	vst v63  }
0xa5: {  	_ =	swait.ge [sflag:s0], $0x4000  }
0xa6: {  	[sflag:s0] =	ssyncset.done $0x0  }
0xa7: {  	s29 =	simm.s32 $0x15800;
	[sflag:s0] =	ssyncadd.s32 $0xFFFFC000  }
0xa8: {  	[spmem:s4] =	stream.indirect.scatter.add.f32 [tilespmem:s16], [sflag:$0x4], $0x80, s29, s14, $0xb8;
	[tilespmem:$0x1EB00] =	vst v63  }
0xa9: {  	_ = 	snop  }
0xaa: {  	[spmem:s5] =	stream.indirect.scatter.add.f32 [tilespmem:s17], [sflag:$0x5], $0x1, s29, s14, $0xb8;
	[tilespmem:$0x1EB00] =	vst v63  }
0xab: {  	_ =	swait.ge [sflag:s21], $0x80  }
0xac: {  	[sflag:s21] =	ssyncset.done $0x0  }
0xad: {  	[sflag:s21] =	ssyncadd.s32 $0xFFFFFF80  }
0xae: {  	_ =	swait.ge [sflag:s21], $0x80  }
0xaf: {  	s26 =	simm.s32 $0xFFFFB800;
	[sflag:s21] =	ssyncset.done $0x0  }
.LBB2_5:
0xb0: {  	p1 =	sne.s32 s26, $0xFFFFFC00  }
0xb1: {  	[sflag:s21] =	ssyncadd.s32 $0xFFFFFF80;
	s28 =	smov.u32 s26;
	s26 =	sadd.s32 $0x400, s26  }
0xb2: {  	_ =	swait.ge [sflag:s19], $0x4000  }
0xb3: {  	s28 =	sshra.s32 s28, $0x2;
	[sflag:s19] =	ssyncset.done $0x0  }
0xb4: {  	s29 =	sadd.s32 $0x15680, s28;
	[sflag:s19] =	ssyncadd.s32 $0xFFFFC000  }
0xb5: {  	[tilespmem:s30], [sflag:$0x1] =	stream.indirect.gather [hbm4b:s1+s14], $0x80, s29, s14, $0xb8;
	[tilespmem:$0x1EB00] =	vst v63  }
0xb6: {  	_ =	swait.ge [sflag:s20], $0x4000  }
0xb7: {  	[sflag:s20] =	ssyncset.done $0x0  }
0xb8: {  	s29 =	sadd.s32 $0x15700, s28;
	[sflag:s20] =	ssyncadd.s32 $0xFFFFC000  }
0xb9: {  	[tilespmem:s16], [sflag:$0x2] =	stream.indirect.gather [hbm4b:s1+s14], $0x80, s29, s14, $0xb8;
	[tilespmem:$0x1EB00] =	vst v63  }
0xba: {  	_ =	swait.ge [sflag:s31], $0x4000  }
0xbb: {  	[sflag:s31] =	ssyncset.done $0x0  }
0xbc: {  	s29 =	sadd.s32 $0x16A80, s28;
	[sflag:s31] =	ssyncadd.s32 $0xFFFFC000  }
0xbd: {  	[spmem:s4] =	stream.indirect.scatter.add.f32 [tilespmem:s30], [sflag:$0x3], $0x80, s29, s14, $0xb8;
	[tilespmem:$0x1EB00] =	vst v63  }
0xbe: {  	_ = 	snop  }
0xbf: {  	[spmem:s5] =	stream.indirect.scatter.add.f32 [tilespmem:s17], [sflag:$0x5], $0x1, s29, s14, $0xb8;
	[tilespmem:$0x1EB00] =	vst v63  }
0xc0: {  	_ =	swait.ge [sflag:s0], $0x4000  }
0xc1: {  	[sflag:s0] =	ssyncset.done $0x0  }
0xc2: {  	s28 =	sadd.s32 $0x16B00, s28;
	[sflag:s0] =	ssyncadd.s32 $0xFFFFC000  }
0xc3: {  	[spmem:s4] =	stream.indirect.scatter.add.f32 [tilespmem:s16], [sflag:$0x4], $0x80, s28, s14, $0xb8;
	[tilespmem:$0x1EB00] =	vst v63  }
0xc4: {  	_ = 	snop  }
0xc5: {  	[spmem:s5] =	stream.indirect.scatter.add.f32 [tilespmem:s17], [sflag:$0x5], $0x1, s28, s14, $0xb8;
	[tilespmem:$0x1EB00] =	vst v63  }
.Ltmp4:
0xc6: {  	_ =	swait.ge [sflag:s21], $0x80;
	(pc) =	sbr.rel @p1 .LBB2_5-.Ltmp4, $4  }
0xc7: {  	[sflag:s21] =	ssyncset.done $0x0  }
0xc8: {  	[sflag:s21] =	ssyncadd.s32 $0xFFFFFF80  }
0xc9: {  	_ =	swait.ge [sflag:s21], $0x80  }
0xca: {  	[sflag:s21] =	ssyncset.done $0x0  }
0xcb: {  	[sflag:s21] =	ssyncadd.s32 $0xFFFFFF80  }
0xcc: {  	_ =	swait.ge [sflag:s19], $0x4000  }
0xcd: {  	[sflag:s19] =	ssyncset.done $0x0  }
0xce: {  	[sflag:s19] =	ssyncadd.s32 $0xFFFFC000  }
0xcf: {  	_ =	swait.ge [sflag:s20], $0x4000  }
0xd0: {  	[sflag:s20] =	ssyncset.done $0x0  }
0xd1: {  	s23 =	sadd.s32 $0x1, s23;
	[sflag:s20] =	ssyncadd.s32 $0xFFFFC000  }
0xd2: {  	p1 =	seq.s32 s23, $0x4;
	_ =	swait.ge [sflag:s21], $0x80  }
.Ltmp5:
0xd3: {  	[sflag:s21] =	ssyncset.done $0x0;
	(pc) =	sbr.rel @!p1 .LBB2_4-.Ltmp5, $4  }
0xd4: {  	[sflag:s21] =	ssyncadd.s32 $0xFFFFFF80  }
0xd5: {  	_ =	swait.ge [sflag:s21], $0x80  }
0xd6: {  	[sflag:s21] =	ssyncset.done $0x0  }
0xd7: {  	[sflag:s21] =	ssyncadd.s32 $0xFFFFFF80  }
.Ltmp6:
0xd8: {  	(pc) =	sbr.rel .LBB2_12-.Ltmp6, $3  }
0xd9: {  	_ =	sdelay $0x1  }
0xda: {  	s26 =	rddreg [dreg:$0x7]  }
0xdb: {  	s23 =	rddreg [dreg:$0x8]  }
.LBB2_8:
0xdc: {  	s26 =	smul.u32 $0x1400, s23;
	_ =	sdelay $0x1  }
0xdd: {  	s26 =	sadd.s32 s25, s26  }
0xde: {  	s26 =	sshrl.u32 s26, $0x3  }
0xdf: {  	s28 =	sadd.s32 s9, s26  }
0xe0: {  	[tilespmem:s11], [sflag:$0x6] =	stream.linear.gather [hbm4b:s28+s6], $0x1400, $0x38;
	[tilespmem:$0x1EB00] =	vst v63  }
0xe1: {  	_ =	swait.ge [sflag:s12], $0x1400  }
0xe2: {  	[sflag:s12] =	ssyncset.done $0x0  }
0xe3: {  	s26 =	sadd.s32 s10, s26;
	[sflag:s12] =	ssyncadd.s32 $0xFFFFEC00  }
0xe4: {  	[tilespmem:s13], [sflag:$0x6] =	stream.linear.gather [hbm4b:s26+s6], $0x1400, $0x38;
	[tilespmem:$0x1EB00] =	vst v63  }
0xe5: {  	_ =	swait.ge [sflag:s12], $0x1400  }
0xe6: {  	[sflag:s12] =	ssyncset.done $0x0  }
0xe7: {  	[sflag:s12] =	ssyncadd.s32 $0xFFFFEC00  }
0xe8: {  	[tilespmem:s30], [sflag:$0x1] =	stream.indirect.gather [hbm4b:s2+s14], $0x80, s11, s14, $0xb8;
	[tilespmem:$0x1EB00] =	vst v63  }
0xe9: {  	_ = 	snop  }
0xea: {  	[tilespmem:s16], [sflag:$0x2] =	stream.indirect.gather [hbm4b:s2+s14], $0x80, s7, s14, $0xb8;
	[tilespmem:$0x1EB00] =	vst v63  }
0xeb: {  	_ =	swait.ge [sflag:s31], $0x4000  }
0xec: {  	[sflag:s31] =	ssyncset.done $0x0  }
0xed: {  	[sflag:s31] =	ssyncadd.s32 $0xFFFFC000  }
0xee: {  	[spmem:s4] =	stream.indirect.scatter.add.f32 [tilespmem:s30], [sflag:$0x3], $0x80, s13, s14, $0xb8;
	[tilespmem:$0x1EB00] =	vst v63  }
0xef: {  	_ = 	snop  }
0xf0: {  	[spmem:s5] =	stream.indirect.scatter.add.f32 [tilespmem:s17], [sflag:$0x5], $0x1, s13, s14, $0xb8;
	[tilespmem:$0x1EB00] =	vst v63  }
0xf1: {  	_ =	swait.ge [sflag:s0], $0x4000  }
0xf2: {  	[sflag:s0] =	ssyncset.done $0x0  }
0xf3: {  	[sflag:s0] =	ssyncadd.s32 $0xFFFFC000  }
0xf4: {  	[spmem:s4] =	stream.indirect.scatter.add.f32 [tilespmem:s16], [sflag:$0x4], $0x80, s18, s14, $0xb8;
	[tilespmem:$0x1EB00] =	vst v63  }
0xf5: {  	_ = 	snop  }
0xf6: {  	[spmem:s5] =	stream.indirect.scatter.add.f32 [tilespmem:s17], [sflag:$0x5], $0x1, s18, s14, $0xb8;
	[tilespmem:$0x1EB00] =	vst v63  }
0xf7: {  	_ =	swait.ge [sflag:s19], $0x4000  }
0xf8: {  	[sflag:s19] =	ssyncset.done $0x0  }
0xf9: {  	s29 =	simm.s32 $0x14380;
	[sflag:s19] =	ssyncadd.s32 $0xFFFFC000  }
0xfa: {  	[tilespmem:s30], [sflag:$0x1] =	stream.indirect.gather [hbm4b:s2+s14], $0x80, s29, s14, $0xb8;
	[tilespmem:$0x1EB00] =	vst v63  }
0xfb: {  	_ =	swait.ge [sflag:s20], $0x4000  }
0xfc: {  	[sflag:s20] =	ssyncset.done $0x0  }
0xfd: {  	s15 =	simm.s32 $0x14400;
	[sflag:s20] =	ssyncadd.s32 $0xFFFFC000  }
0xfe: {  	[tilespmem:s16], [sflag:$0x2] =	stream.indirect.gather [hbm4b:s2+s14], $0x80, s15, s14, $0xb8;
	[tilespmem:$0x1EB00] =	vst v63  }
0xff: {  	_ =	swait.ge [sflag:s31], $0x4000  }
0x100: {  	[sflag:s31] =	ssyncset.done $0x0  }
0x101: {  	s28 =	simm.s32 $0x15780;
	[sflag:s31] =	ssyncadd.s32 $0xFFFFC000  }
0x102: {  	[spmem:s4] =	stream.indirect.scatter.add.f32 [tilespmem:s30], [sflag:$0x3], $0x80, s28, s14, $0xb8;
	[tilespmem:$0x1EB00] =	vst v63  }
0x103: {  	_ = 	snop  }
0x104: {  	[spmem:s5] =	stream.indirect.scatter.add.f32 [tilespmem:s17], [sflag:$0x5], $0x1, s28, s14, $0xb8;
	[tilespmem:$0x1EB00] =	vst v63  }
0x105: {  	_ =	swait.ge [sflag:s0], $0x4000  }
0x106: {  	[sflag:s0] =	ssyncset.done $0x0  }
0x107: {  	s29 =	simm.s32 $0x15800;
	[sflag:s0] =	ssyncadd.s32 $0xFFFFC000  }
0x108: {  	[spmem:s4] =	stream.indirect.scatter.add.f32 [tilespmem:s16], [sflag:$0x4], $0x80, s29, s14, $0xb8;
	[tilespmem:$0x1EB00] =	vst v63  }
0x109: {  	_ = 	snop  }
0x10a: {  	[spmem:s5] =	stream.indirect.scatter.add.f32 [tilespmem:s17], [sflag:$0x5], $0x1, s29, s14, $0xb8;
	[tilespmem:$0x1EB00] =	vst v63  }
0x10b: {  	_ =	swait.ge [sflag:s21], $0x80  }
0x10c: {  	[sflag:s21] =	ssyncset.done $0x0  }
0x10d: {  	[sflag:s21] =	ssyncadd.s32 $0xFFFFFF80  }
0x10e: {  	_ =	swait.ge [sflag:s21], $0x80  }
0x10f: {  	s26 =	simm.s32 $0xFFFFB800;
	[sflag:s21] =	ssyncset.done $0x0  }
.LBB2_9:
0x110: {  	p1 =	sne.s32 s26, $0xFFFFFC00  }
0x111: {  	[sflag:s21] =	ssyncadd.s32 $0xFFFFFF80;
	s28 =	smov.u32 s26;
	s26 =	sadd.s32 $0x400, s26  }
0x112: {  	_ =	swait.ge [sflag:s19], $0x4000  }
0x113: {  	s28 =	sshra.s32 s28, $0x2;
	[sflag:s19] =	ssyncset.done $0x0  }
0x114: {  	s29 =	sadd.s32 $0x15680, s28;
	[sflag:s19] =	ssyncadd.s32 $0xFFFFC000  }
0x115: {  	[tilespmem:s30], [sflag:$0x1] =	stream.indirect.gather [hbm4b:s2+s14], $0x80, s29, s14, $0xb8;
	[tilespmem:$0x1EB00] =	vst v63  }
0x116: {  	_ =	swait.ge [sflag:s20], $0x4000  }
0x117: {  	[sflag:s20] =	ssyncset.done $0x0  }
0x118: {  	s29 =	sadd.s32 $0x15700, s28;
	[sflag:s20] =	ssyncadd.s32 $0xFFFFC000  }
0x119: {  	[tilespmem:s16], [sflag:$0x2] =	stream.indirect.gather [hbm4b:s2+s14], $0x80, s29, s14, $0xb8;
	[tilespmem:$0x1EB00] =	vst v63  }
0x11a: {  	_ =	swait.ge [sflag:s31], $0x4000  }
0x11b: {  	[sflag:s31] =	ssyncset.done $0x0  }
0x11c: {  	s29 =	sadd.s32 $0x16A80, s28;
	[sflag:s31] =	ssyncadd.s32 $0xFFFFC000  }
0x11d: {  	[spmem:s4] =	stream.indirect.scatter.add.f32 [tilespmem:s30], [sflag:$0x3], $0x80, s29, s14, $0xb8;
	[tilespmem:$0x1EB00] =	vst v63  }
0x11e: {  	_ = 	snop  }
0x11f: {  	[spmem:s5] =	stream.indirect.scatter.add.f32 [tilespmem:s17], [sflag:$0x5], $0x1, s29, s14, $0xb8;
	[tilespmem:$0x1EB00] =	vst v63  }
0x120: {  	_ =	swait.ge [sflag:s0], $0x4000  }
0x121: {  	[sflag:s0] =	ssyncset.done $0x0  }
0x122: {  	s28 =	sadd.s32 $0x16B00, s28;
	[sflag:s0] =	ssyncadd.s32 $0xFFFFC000  }
0x123: {  	[spmem:s4] =	stream.indirect.scatter.add.f32 [tilespmem:s16], [sflag:$0x4], $0x80, s28, s14, $0xb8;
	[tilespmem:$0x1EB00] =	vst v63  }
0x124: {  	_ = 	snop  }
0x125: {  	[spmem:s5] =	stream.indirect.scatter.add.f32 [tilespmem:s17], [sflag:$0x5], $0x1, s28, s14, $0xb8;
	[tilespmem:$0x1EB00] =	vst v63  }
.Ltmp7:
0x126: {  	_ =	swait.ge [sflag:s21], $0x80;
	(pc) =	sbr.rel @p1 .LBB2_9-.Ltmp7, $4  }
0x127: {  	[sflag:s21] =	ssyncset.done $0x0  }
0x128: {  	[sflag:s21] =	ssyncadd.s32 $0xFFFFFF80  }
0x129: {  	_ =	swait.ge [sflag:s21], $0x80  }
0x12a: {  	[sflag:s21] =	ssyncset.done $0x0  }
0x12b: {  	[sflag:s21] =	ssyncadd.s32 $0xFFFFFF80  }
0x12c: {  	_ =	swait.ge [sflag:s19], $0x4000  }
0x12d: {  	[sflag:s19] =	ssyncset.done $0x0  }
0x12e: {  	[sflag:s19] =	ssyncadd.s32 $0xFFFFC000  }
0x12f: {  	_ =	swait.ge [sflag:s20], $0x4000  }
0x130: {  	[sflag:s20] =	ssyncset.done $0x0  }
0x131: {  	s23 =	sadd.s32 $0x1, s23;
	[sflag:s20] =	ssyncadd.s32 $0xFFFFC000  }
0x132: {  	p1 =	sne.s32 s23, $0x4;
	_ =	swait.ge [sflag:s21], $0x80  }
.Ltmp8:
0x133: {  	[sflag:s21] =	ssyncset.done $0x0;
	(pc) =	sbr.rel @p1 .LBB2_8-.Ltmp8, $4  }
0x134: {  	[sflag:s21] =	ssyncadd.s32 $0xFFFFFF80  }
0x135: {  	_ =	swait.ge [sflag:s21], $0x80  }
0x136: {  	[sflag:s21] =	ssyncset.done $0x0  }
0x137: {  	[sflag:s21] =	ssyncadd.s32 $0xFFFFFF80  }
.Ltmp9:
0x138: {  	(pc) =	sbr.rel .LBB2_12-.Ltmp9, $3  }
0x139: {  	_ =	sdelay $0x1  }
0x13a: {  	s26 =	rddreg [dreg:$0x9]  }
0x13b: {  	s23 =	rddreg [dreg:$0xa]  }
.LBB2_13:
0x13c: {  	_ =	sfence.sel $0x180000  }
0x13d: {  	[bflag:$0x0] =	sbarrier.arrive $0xFFFF  }
0x13e: {  	_ =	strace $0x90000047  }
0x13f: {  	s0 =	stileid.u32;
	[bflag:$0x2] =	sbarrier.arrive $0xFFFF  }
0x140: {  	p0 =	sne.s32 s0, $0x0;
	s0 =	rddreg [dreg:$0x6]  }
0x141: {  	s0 =	sadd.s32 @!p0 $0x100000, s0  }
0x142: {  	[sflag:s0] =	ssyncadd.tile.s32 @!p0 $0x1;
	_ =	shalt  }
.Lfunc_end2:
_tile_overlayer_lowered:
.L_overlay_start_2:
0x143: {  	(tag) =	ssettag $0x2  }
0x144: {  	s0 =	rddreg [dreg:$0x0];
	s2 =	stileid.u32  }
0x145: {  	s1 =	rddreg [dreg:$0x1];
	p0 =	sne.s32 s2, $0x0  }
0x146: {  	s3 =	rddreg [dreg:$0x2];
	[bflag:$0x3] =	sbarrier.arrive $0xFFFF;
	s2 =	simm.s32 @!p0 $0x1C06  }
0x147: {  	[timem:s3], [sflag:s2] =	dma.local @!p0 [hbm:s0], s1  }
0x148: {  	s0 =	simm.s32 @!p0 $0x6  }
0x149: {  	_ =	swait.ge @!p0 [sflag:s0], s1  }
0x14a: {  	s1 =	ssub.s32 @!p0 $0x0, s1;
	[sflag:s0] =	ssyncset.done @!p0 $0x0  }
0x14b: {  	[sflag:s0] =	ssyncadd.s32 @!p0 s1  }
0x14c: {  	[bflag:$0x3] =	sbarrier.arrive $0xFFFF  }
0x14d: {  	_ =	shalt  }

</sc_bundles>
